<compile_context>
chip_gen: v7x
topology: tpu7x:2x2x1
jax: 0.10.2.dev20260603
libtpu: 0.0.44.dev20260713+nightly
codegen_flags: <defaults>
</compile_context>

<pallas_src>
import functools

import jax
import jax.numpy as jnp
from jax import lax
from jax.experimental import pallas as pl
from jax.experimental.pallas import tpu as pltpu
from jax.experimental.pallas import tpu_sc as plsc

_HIGH = jax.lax.Precision.HIGHEST



def _build_s_kernel(esrc_ref, edst_ref, zeros_ref, ones_ref, s_ref,
                    chunk_s, chunk_d, bucket, cnt, idx2d, ones_v, slab,
                    *, np_, e_total):
    nc, ns = 2, 16
    half = np_ // nc
    slabs = 80
    rows = half // slabs
    slab_n = rows * np_
    nb = slabs
    cap = 64
    drain = cap // 16
    pairs = e_total // ns
    chunk = 1600
    nchunk = pairs // chunk
    zstripe = slab_n // ns

    cid = lax.axis_index("c")
    sid = lax.axis_index("s")
    base = cid * half
    lane = jax.lax.iota(jnp.int32, 16)

    def zero_body(i, _):
        cnt[pl.ds(i * 16, 16)] = jnp.zeros((16,), jnp.int32)
        return 0
    lax.fori_loop(0, 16 * nb // 16, zero_body, 0)
    pltpu.sync_copy(ones_ref, ones_v)

    def chunk_body(ck, _):
        start = sid * pairs + ck * chunk
        pltpu.sync_copy(esrc_ref.at[pl.ds(start, chunk)], chunk_s)
        pltpu.sync_copy(edst_ref.at[pl.ds(start, chunk)], chunk_d)

        def vec_body(i, _):
            sv = chunk_s[pl.ds(i * 16, 16)]
            dv = chunk_d[pl.ds(i * 16, 16)]
            for dst_v, src_v in ((dv, sv), (sv, dv)):
                x = dst_v - base
                keep = (x >= 0) & (x < half)
                xs = jnp.clip(x, 0, half - 1)
                g = xs * np_ + src_v
                b = xs >> 6
                cell = lane * nb + b
                c0 = plsc.load_gather(cnt, [cell])
                slot = cell * cap + jnp.minimum(c0, cap - 1)
                plsc.store_scatter(bucket, [slot], g, mask=keep)
                plsc.store_scatter(cnt, [cell],
                                   c0 + jnp.where(keep, 1, 0))
            return 0

        lax.fori_loop(0, chunk // 16, vec_body, 0)
        return 0

    lax.fori_loop(0, nchunk, chunk_body, 0)

    def slab_body(p, _):
        goff = p * slab_n
        plsc.subcore_barrier()
        pltpu.sync_copy(zeros_ref.at[pl.ds(sid * zstripe, zstripe)],
                        slab.at[pl.ds(sid * zstripe, zstripe)])
        plsc.subcore_barrier()

        def cell_body(j, _):
            cell = j * nb + p
            cnt_s = plsc.load_gather(cnt, [jnp.full((16,), 0, jnp.int32) + cell])
            cnt_c = jnp.minimum(cnt_s, cap)

            def drain_body(i, _):
                pos = lane + i * 16
                mask = pos < cnt_c
                g = bucket[pl.ds(cell * cap + i * 16, 16)]
                gl = jnp.clip(g - goff, 0, slab_n - 1)
                flat = j * drain + i
                tr = slab_n + ((flat * 16 + lane) & 8191)
                idxv = jnp.where(mask, gl, tr)
                idx2d[pl.ds(flat * 16, 16)] = idxv
                return 0

            lax.fori_loop(0, drain, drain_body, 0)
            return 0

        lax.fori_loop(0, ns, cell_body, 0)
        pltpu.sync_copy(ones_v, slab.at[idx2d], add=True)
        plsc.subcore_barrier()
        row0 = (base + p * rows) * np_
        pltpu.sync_copy(slab.at[pl.ds(sid * zstripe, zstripe)],
                        s_ref.at[pl.ds(row0 + sid * zstripe, zstripe)])
        return 0

    lax.fori_loop(0, slabs, slab_body, 0)


def _build_s(edge_index, np_):
    e_total = edge_index.shape[1]
    nb, cap = 80, 64
    cells = 16 * nb
    rows = (np_ // 2) // nb
    slab_n = rows * np_
    chunk = 1600
    mesh = plsc.VectorSubcoreMesh(core_axis_name="c", subcore_axis_name="s")
    zeros_src = jnp.zeros((slab_n,), jnp.float32)
    ones_src = jnp.ones((16 * cap,), jnp.float32)
    run = pl.kernel(
        functools.partial(_build_s_kernel, np_=np_, e_total=e_total),
        mesh=mesh,
        out_type=jax.ShapeDtypeStruct((np_ * np_,), jnp.float32),
        compiler_params=pltpu.CompilerParams(needs_layout_passes=False),
        scratch_types=[
            pltpu.VMEM((chunk,), jnp.int32),
            pltpu.VMEM((chunk,), jnp.int32),
            pltpu.VMEM((cells * cap,), jnp.int32),
            pltpu.VMEM((cells,), jnp.int32),
            pltpu.VMEM((16 * cap,), jnp.int32),
            pltpu.VMEM((16 * cap,), jnp.float32),
            pltpu.VMEM_SHARED(((rows + 1) * np_,), jnp.float32),
        ],
    )
    flat = run(edge_index[0], edge_index[1], zeros_src, ones_src)
    return flat.reshape(np_, np_)


def _dot(a, b, dims=None):
    if dims is None:
        return jax.lax.dot(a, b, precision=_HIGH,
                           preferred_element_type=jnp.float32)
    return jax.lax.dot_general(a, b, dimension_numbers=dims, precision=_HIGH,
                               preferred_element_type=jnp.float32)



def _fuse_tables_kernel(w0_ref, *refs, t_rows_pad):
    out_ref = refs[-1]
    tables = refs[:-1]
    row_off = 0
    parts = []
    total = 0
    for t_ref in tables:
        tab = t_ref[...]
        rows, width = tab.shape
        w_seg = w0_ref[row_off:row_off + width, :]
        parts.append(_dot(tab, w_seg))
        row_off += width
        total += rows
    if t_rows_pad > total:
        parts.append(jnp.zeros((t_rows_pad - total, out_ref.shape[1]),
                               jnp.float32))
    out_ref[...] = jnp.concatenate(parts, axis=0)


def _fuse_tables(tables, w0, t_rows_pad):
    out_shape = jax.ShapeDtypeStruct((t_rows_pad, w0.shape[1]), jnp.float32)
    full = lambda s: pl.BlockSpec(s, lambda: (0,) * len(s))
    return pl.pallas_call(
        functools.partial(_fuse_tables_kernel, t_rows_pad=t_rows_pad),
        grid=(),
        in_specs=[full(w0.shape)] + [full(t.shape) for t in tables],
        out_specs=full(out_shape.shape),
        out_shape=out_shape,
    )(w0, *tables)



def _embed_kernel(ai_ref, t_ref, b0_ref, out_ref, *, offsets, t_rows):
    blk = ai_ref.shape[0]
    m = jnp.zeros((blk, t_rows), jnp.float32)
    iota = lax.broadcasted_iota(jnp.int32, (blk, t_rows), 1)
    for i, off in enumerate(offsets):
        idx = ai_ref[:, i:i + 1] + off
        m = m + (iota == idx).astype(jnp.float32)
    out_ref[...] = _dot(m, t_ref[...]) + b0_ref[...]


def _embed(ai_pad, t_all, b0, offsets, blk):
    np_, _ = ai_pad.shape
    t_rows = t_all.shape[0]
    hid = t_all.shape[1]
    grid = (np_ // blk,)
    return pl.pallas_call(
        functools.partial(_embed_kernel, offsets=tuple(offsets), t_rows=t_rows),
        grid=grid,
        in_specs=[
            pl.BlockSpec((blk, ai_pad.shape[1]), lambda m: (m, 0)),
            pl.BlockSpec(t_all.shape, lambda m: (0, 0)),
            pl.BlockSpec(b0.shape, lambda m: (0, 0)),
        ],
        out_specs=pl.BlockSpec((blk, hid), lambda m: (m, 0)),
        out_shape=jax.ShapeDtypeStruct((np_, hid), jnp.float32),
    )(ai_pad, t_all, b0)



def _spmm_kernel(s_ref, x_ref, e_ref, out_ref):
    k = pl.program_id(1)

    @pl.when(k == 0)
    def _():
        out_ref[...] = jnp.zeros_like(out_ref)

    y = jnp.maximum(x_ref[...] + e_ref[...], 0.0)
    y_hi = y.astype(jnp.bfloat16)
    y_lo = (y - y_hi.astype(jnp.float32)).astype(jnp.bfloat16)
    s_blk = s_ref[...]
    acc = jax.lax.dot(s_blk, y_hi, preferred_element_type=jnp.float32)
    acc += jax.lax.dot(s_blk, y_lo, preferred_element_type=jnp.float32)
    out_ref[...] += acc


def _spmm(s, x, e, bm, bk):
    np_ = x.shape[0]
    hid = x.shape[1]
    grid = (np_ // bm, np_ // bk)
    return pl.pallas_call(
        _spmm_kernel,
        grid=grid,
        in_specs=[
            pl.BlockSpec((bm, bk), lambda m, k: (m, k)),
            pl.BlockSpec((bk, hid), lambda m, k: (k, 0)),
            pl.BlockSpec(e.shape, lambda m, k: (0, 0)),
        ],
        out_specs=pl.BlockSpec((bm, hid), lambda m, k: (m, 0)),
        out_shape=jax.ShapeDtypeStruct((np_, hid), jnp.float32),
    )(s, x, e)


def _cast_kernel(s_ref, o_ref):
    o_ref[...] = s_ref[...].astype(jnp.bfloat16)


def _cast_bf16(s, bm):
    np0, np1 = s.shape
    return pl.pallas_call(
        _cast_kernel,
        grid=(np0 // bm,),
        in_specs=[pl.BlockSpec((bm, np1), lambda m: (m, 0))],
        out_specs=pl.BlockSpec((bm, np1), lambda m: (m, 0)),
        out_shape=jax.ShapeDtypeStruct((np0, np1), jnp.bfloat16),
    )(s)



def _post_kernel(x_ref, a_ref, wn_ref, bn_ref, g_ref, b_ref, out_ref):
    t = _dot(x_ref[...] + a_ref[...], wn_ref[...]) + bn_ref[...]
    mu = jnp.mean(t, axis=1, keepdims=True)
    var = jnp.mean((t - mu) ** 2, axis=1, keepdims=True)
    out_ref[...] = (t - mu) / jnp.sqrt(var + 1e-5) * g_ref[...] + b_ref[...]


def _post(x, aggr, wn, bn, g, b, bm):
    np_, hid = x.shape
    grid = (np_ // bm,)
    row = lambda a: pl.BlockSpec(a.shape, lambda m: (0, 0))
    return pl.pallas_call(
        _post_kernel,
        grid=grid,
        in_specs=[
            pl.BlockSpec((bm, hid), lambda m: (m, 0)),
            pl.BlockSpec((bm, hid), lambda m: (m, 0)),
            row(wn), row(bn), row(g), row(b),
        ],
        out_specs=pl.BlockSpec((bm, hid), lambda m: (m, 0)),
        out_shape=jax.ShapeDtypeStruct((np_, hid), jnp.float32),
    )(x, aggr, wn, bn, g, b)



def _final_kernel(x_ref, w1_ref, b1_ref, cb_ref, h_ref, q_ref, e_ref, l_ref,
                  *, n_valid, cb_chunk):
    m = pl.program_id(0)
    blk = x_ref.shape[0]
    h = _dot(x_ref[...], w1_ref[...]) + b1_ref[...]
    c_total = cb_ref.shape[0]
    n_chunks = c_total // cb_chunk

    ones_col = jnp.ones((blk, 1), jnp.float32)
    haug = jnp.concatenate([-2.0 * h, ones_col], axis=1)
    h_hi = haug.astype(jnp.bfloat16)
    h_lo = (haug - h_hi.astype(jnp.float32)).astype(jnp.bfloat16)

    best = jnp.full((blk, 1), jnp.inf, jnp.float32)
    bidx = jnp.zeros((blk, 1), jnp.int32)
    brow = jnp.zeros_like(h)
    iota_l = lax.broadcasted_iota(jnp.int32, (blk, cb_chunk), 1)
    big = jnp.int32(2 ** 30)
    for c in range(n_chunks):
        cbc = cb_ref[c * cb_chunk:(c + 1) * cb_chunk, :]
        cb2 = jnp.sum(cbc * cbc, axis=1, keepdims=True)
        caug = jnp.concatenate([cbc, cb2], axis=1)
        c_hi = caug.astype(jnp.bfloat16)
        c_lo = (caug - c_hi.astype(jnp.float32)).astype(jnp.bfloat16)
        dims = (((1,), (1,)), ((), ()))
        scores = jax.lax.dot_general(
            h_hi, c_hi, dimension_numbers=dims,
            preferred_element_type=jnp.float32)
        scores += jax.lax.dot_general(
            h_hi, c_lo, dimension_numbers=dims,
            preferred_element_type=jnp.float32)
        scores += jax.lax.dot_general(
            h_lo, c_hi, dimension_numbers=dims,
            preferred_element_type=jnp.float32)
        cmin = jnp.min(scores, axis=1, keepdims=True)
        cidx = jnp.min(jnp.where(scores == cmin, iota_l, big), axis=1,
                       keepdims=True)
        onehot = (iota_l == cidx).astype(jnp.bfloat16)
        cb_h = cbc.astype(jnp.bfloat16)
        cb_l = (cbc - cb_h.astype(jnp.float32)).astype(jnp.bfloat16)
        crow = jax.lax.dot(onehot, cb_h, preferred_element_type=jnp.float32)
        crow += jax.lax.dot(onehot, cb_l, preferred_element_type=jnp.float32)
        upd = cmin < best
        best = jnp.where(upd, cmin, best)
        bidx = jnp.where(upd, cidx + c * cb_chunk, bidx)
        brow = jnp.where(upd, crow, brow)

    h_ref[...] = h
    q_ref[...] = h + (brow - h)
    e_ref[...] = bidx

    row_id = m * blk + lax.broadcasted_iota(jnp.int32, (blk, 1), 0)
    mask = (row_id < n_valid).astype(jnp.float32)
    contrib = jnp.sum((h - brow) ** 2 * mask).reshape(1, 1)

    @pl.when(m == 0)
    def _():
        l_ref[...] = jnp.zeros_like(l_ref)

    l_ref[...] += contrib


def _final(x, w1, b1, cb, n_valid, bm, cb_chunk):
    np_, hid = x.shape
    grid = (np_ // bm,)
    row = lambda a: pl.BlockSpec(a.shape, lambda m: (0, 0))
    return pl.pallas_call(
        functools.partial(_final_kernel, n_valid=n_valid, cb_chunk=cb_chunk),
        grid=grid,
        in_specs=[
            pl.BlockSpec((bm, hid), lambda m: (m, 0)),
            row(w1), row(b1), row(cb),
        ],
        out_specs=[
            pl.BlockSpec((bm, hid), lambda m: (m, 0)),
            pl.BlockSpec((bm, hid), lambda m: (m, 0)),
            pl.BlockSpec((bm, 1), lambda m: (m, 0)),
            pl.BlockSpec((1, 1), lambda m: (0, 0)),
        ],
        out_shape=[
            jax.ShapeDtypeStruct((np_, hid), jnp.float32),
            jax.ShapeDtypeStruct((np_, hid), jnp.float32),
            jax.ShapeDtypeStruct((np_, 1), jnp.int32),
            jax.ShapeDtypeStruct((1, 1), jnp.float32),
        ],
    )(x, w1, b1, cb)



def kernel(atom_inputs, edge_index, edge_weight, chunk_i, params):
    n = atom_inputs.shape[0]
    hid = params['W0'].shape[1]
    cb = params['codebook']

    blk = 1024
    np_ = ((n + blk - 1) // blk) * blk

    ai = jnp.zeros((np_, 8), jnp.int32)
    ai = ai.at[:n, :7].set(atom_inputs)
    ai = ai.at[:n, 2].set(atom_inputs[:, 2] + 1)

    tables = [params['element_embed'], params['degree_embed'],
              params['valence_embed'], params['charge_embed'],
              params['aromatic_embed'], params['hybrid_embed'],
              params['hydrogen_embed']]
    sizes = [t.shape[0] for t in tables]
    offsets = []
    acc = 0
    for s in sizes:
        offsets.append(acc)
        acc += s
    t_rows = ((acc + 7) // 8) * 8

    s_mat = _cast_bf16(_build_s(edge_index, np_), bm=256)

    t_all = _fuse_tables(tables, params['W0'], t_rows)
    b0row = params['b0'][None, :]
    h = _embed(ai, t_all, b0row, offsets, blk)

    for i in range(4):
        e_const = (params['g%d_We' % i][0] + params['g%d_be' % i])[None, :]
        aggr = _spmm(s_mat, h, e_const, bm=blk, bk=2 * blk)
        h = _post(h, aggr,
                  params['g%d_Wn' % i], params['g%d_bn' % i][None, :],
                  params['ln%d_g' % i][None, :], params['ln%d_b' % i][None, :],
                  bm=blk)

    h_out, q_out, e_out, l_out = _final(
        h, params['W1'], params['b1'][None, :], cb,
        n_valid=n, bm=blk, cb_chunk=1024)

    commit = l_out[0, 0] / (n * hid)
    return (h_out[:n], q_out[:n], e_out[:n, 0], commit)

# --- scband reference (transcript-rebuilt; emitter-appended) ---
"""Pipeline reference for scband-equivariant-three-hop-gine-7112465842229 (READ-ONLY COPY).

The authoritative reference and input builder live on the scoring server;
editing this copy changes nothing except your own understanding.
"""

import jax, jax.numpy as jnp
import numpy as np

N_NODES = 10000
N_EDGES = 640000
HID = 64
CODEBOOK_SIZE = 8192


def _init_params(key):
    ks = jax.random.split(key, 32)
    def nrm(k, shape, s=0.02):
        return jax.random.normal(k, shape, dtype=jnp.float32) * s
    p = {}
    p['element_embed'] = nrm(ks[0], (100, 64))
    p['degree_embed'] = nrm(ks[1], (7, 4))
    p['valence_embed'] = nrm(ks[2], (7, 4))
    p['charge_embed'] = nrm(ks[3], (8, 4))
    p['aromatic_embed'] = nrm(ks[4], (2, 4))
    p['hybrid_embed'] = nrm(ks[5], (6, 4))
    p['hydrogen_embed'] = nrm(ks[6], (5, 4))
    p['W0'] = nrm(ks[7], (88, HID), 0.05)
    p['b0'] = jnp.zeros((HID,), jnp.float32)
    for i in range(4):
        p['g%d_Wn' % i] = nrm(ks[8 + i], (HID, HID), 0.05)
        p['g%d_bn' % i] = jnp.zeros((HID,), jnp.float32)
        p['g%d_We' % i] = nrm(ks[12 + i], (1, HID), 0.05)
        p['g%d_be' % i] = jnp.zeros((HID,), jnp.float32)
        p['ln%d_g' % i] = jnp.ones((HID,), jnp.float32)
        p['ln%d_b' % i] = jnp.zeros((HID,), jnp.float32)
    p['W1'] = nrm(ks[16], (HID, HID), 0.05)
    p['b1'] = jnp.zeros((HID,), jnp.float32)
    p['bond_embed'] = nrm(ks[17], (4, HID))
    p['bondW'] = nrm(ks[18], (HID, 1), 0.05)
    p['bondb'] = jnp.zeros((1,), jnp.float32)
    p['codebook'] = nrm(ks[19], (CODEBOOK_SIZE, HID), 1.0)
    return p


def setup_inputs(seed: int = 0):
    key = jax.random.key(seed)
    k1, k2, k3, k4 = jax.random.split(key, 4)
    atom_inputs = jax.random.randint(k1, (N_NODES, 7), 0, 2, dtype=jnp.int32)
    edge_index = jax.random.randint(k2, (2, N_EDGES), 0, N_NODES, dtype=jnp.int32)
    edge_weight = jax.random.randint(k3, (N_EDGES,), 0, 4, dtype=jnp.int32)
    params = _init_params(k4)
    return {'atom_inputs': atom_inputs, 'edge_index': edge_index, 'edge_weight': edge_weight, 'chunk_i': 0, 'params': params}


def _layernorm(x, g, b):
    mu = jnp.mean(x, axis=-1, keepdims=True)
    var = jnp.mean((x - mu) ** 2, axis=-1, keepdims=True)
    return (x - mu) / jnp.sqrt(var + 1e-5) * g + b


def _forward(atom_inputs, edge_index, edge_weight, p):
    ai = atom_inputs
    feats = jnp.concatenate([
        p['element_embed'][ai[:, 0]],
        p['degree_embed'][ai[:, 1]],
        p['valence_embed'][ai[:, 2] + 1],
        p['charge_embed'][ai[:, 3]],
        p['aromatic_embed'][ai[:, 4]],
        p['hybrid_embed'][ai[:, 5]],
        p['hydrogen_embed'][ai[:, 6]]], axis=-1)
    h = feats @ p['W0'] + p['b0']
    src1 = edge_index[0]
    dst1 = edge_index[1]
    src = jnp.concatenate([src1, dst1])
    dst = jnp.concatenate([dst1, src1])
    ew = jnp.concatenate([edge_weight, edge_weight])
    mapped = jnp.where((ew >= 1) & (ew <= 4), ew - 1, jnp.zeros_like(ew))
    bond_feats = p['bond_embed'][mapped]
    tew = jax.nn.sigmoid(bond_feats @ p['bondW'] + p['bondb'])
    # torch code overwrites edge_attr with ones of the same shape
    edge_attr = jnp.ones_like(tew)

    def gine(x, Wn, bn, We, be):
        # PyG GINEConv with edge_dim=1: message = relu(x_j + lin(edge_attr)), sum-aggr at dst,
        # out = nn((1 + eps) * x + aggr) with eps = 0
        e = edge_attr @ We + be
        m = jax.nn.relu(x[src] + e)
        aggr = jax.ops.segment_sum(m, dst, num_segments=N_NODES)
        return (x + aggr) @ Wn + bn

    for i in range(4):
        h = gine(h, p['g%d_Wn' % i], p['g%d_bn' % i], p['g%d_We' % i], p['g%d_be' % i])
        h = _layernorm(h, p['ln%d_g' % i], p['ln%d_b' % i])
    h = h @ p['W1'] + p['b1']
    # VectorQuantize core: nearest codebook entry by squared L2 distance
    cb = p['codebook']
    dist = jnp.sum(h ** 2, axis=-1, keepdims=True) - 2.0 * (h @ cb.T) + jnp.sum(cb ** 2, axis=-1)[None, :]
    emb_ind = jnp.argmin(dist, axis=-1)
    quantize = cb[emb_ind]
    commit_loss = jnp.mean((h - jax.lax.stop_gradient(quantize)) ** 2)
    quantize_st = h + jax.lax.stop_gradient(quantize - h)
    return h, quantize_st, emb_ind, commit_loss


def reference(atom_inputs, edge_index, edge_weight, chunk_i, params):
    return _forward(atom_inputs, edge_index, edge_weight, params)

if __name__ == "__main__":
    import jax
    _d = setup_inputs()
    print(jax.jit(kernel)(*tuple(_d.values())))

</pallas_src>

<mosaic_0001>
#map = affine_map<(d0, d1) -> (0)>
module attributes {stable_mosaic.version = 14 : i64} {
  func.func @_build_s_kernel(%arg0: i32, %arg1: i32, %arg2: memref<640000xi32, #tpu.memory_space<hbm>>, %arg3: memref<640000xi32, #tpu.memory_space<hbm>>, %arg4: memref<655360xf32, #tpu.memory_space<hbm>>, %arg5: memref<1024xf32, #tpu.memory_space<hbm>>, %arg6: memref<104857600xf32, #tpu.memory_space<hbm>>, %arg7: memref<1600xi32, #tpu.memory_space<vmem>>, %arg8: memref<1600xi32, #tpu.memory_space<vmem>>, %arg9: memref<81920xi32, #tpu.memory_space<vmem>>, %arg10: memref<1280xi32, #tpu.memory_space<vmem>>, %arg11: memref<1024xi32, #tpu.memory_space<vmem>>, %arg12: memref<1024xf32, #tpu.memory_space<vmem>>, %arg13: memref<665600xf32, #tpu.memory_space<vmem_shared>>) attributes {dimension_semantics = [#tpu.dimension_semantics<core_parallel>, #tpu.dimension_semantics<subcore_parallel>], iteration_bounds = array<i64: 2, 16>, scalar_prefetch = 0 : i64, scratch_operands = 7 : i64, tpu.core_type = #tpu.core_type<sc_vector_subcore>, window_params = [{transform_indices = #map}, {transform_indices = #map}, {transform_indices = #map}, {transform_indices = #map}, {transform_indices = #map}]} {
    %mul3A = arith.constant 5120 : i32
    %mul3A_0 = arith.muli %arg0, %mul3A : i32
    %iota3A = tpu.iota {dimensions = array<i32: 0>} : vector<16xi32>
    %scan3A = arith.constant 0 : i32
    %scan3A_1 = arith.constant 0 : i32
    %scan3A_2 = arith.constant 80 : i32
    %scan3A_3 = arith.addi %scan3A_1, %scan3A_2 : i32
    %scan3A_4 = arith.constant 1 : i32
    %scan3A_5 = scf.for %scan3A_21 = %scan3A_1 to %scan3A_3 step %scan3A_4 iter_args(%scan3A_22 = %scan3A) -> (i32)  : i32 {
      %broadcast_in_dim3A = arith.constant 0 : i32
      %broadcast_in_dim3A_23 = vector.broadcast %broadcast_in_dim3A : i32 to vector<16xi32>
      %mul3A_24 = arith.constant 16 : i32
      %mul3A_25 = arith.muli %scan3A_21, %mul3A_24 : i32
      %swap3A = arith.index_cast %mul3A_25 : i32 to index
      %swap3A_26 = tpu.vector_load %arg10[%swap3A] {strides = array<i32>} : memref<1280xi32, #tpu.memory_space<vmem>>, vector<16xi32>,
      tpu.vector_store %arg10[%swap3A], %broadcast_in_dim3A_23 {strides = array<i32>} : memref<1280xi32, #tpu.memory_space<vmem>>, vector<16xi32>,
      %scan3A_27 = arith.constant 0 : i32
      scf.yield %scan3A_27 : i32
    }
    %scan3A_6 = arith.constant 80 : i32
    "tpu.region"() ({
      %run_scoped3A = tpu.sem_alloc : memref<!tpu.dma_semaphore, #tpu.memory_space<semaphore_mem>>
      tpu.enqueue_dma source(%arg5 : memref<1024xf32, #tpu.memory_space<hbm>>) target(%arg12 : memref<1024xf32, #tpu.memory_space<vmem>>) target_semaphore(%run_scoped3A : memref<!tpu.dma_semaphore, #tpu.memory_space<semaphore_mem>>)
      tpu.wait_dma2 semaphore(%run_scoped3A : memref<!tpu.dma_semaphore, #tpu.memory_space<semaphore_mem>>) src(%arg5 : memref<1024xf32, #tpu.memory_space<hbm>>) dst(%arg12 : memref<1024xf32, #tpu.memory_space<vmem>>)
      tpu.yield
    }) : () -> ()
    %scan3A_7 = arith.constant 0 : i32
    %scan3A_8 = arith.constant 0 : i32
    %scan3A_9 = arith.constant 25 : i32
    %scan3A_10 = arith.addi %scan3A_8, %scan3A_9 : i32
    %scan3A_11 = arith.constant 1 : i32
    %scan3A_12 = scf.for %scan3A_21 = %scan3A_8 to %scan3A_10 step %scan3A_11 iter_args(%scan3A_22 = %scan3A_7) -> (i32)  : i32 {
      %mul3A_23 = arith.constant 40000 : i32
      %mul3A_24 = arith.muli %arg1, %mul3A_23 : i32
      %mul3A_25 = arith.constant 1600 : i32
      %mul3A_26 = arith.muli %scan3A_21, %mul3A_25 : i32
      %add3A = arith.addi %mul3A_24, %mul3A_26 : i32
      "tpu.region"() ({
        %run_scoped3A = tpu.sem_alloc : memref<!tpu.dma_semaphore, #tpu.memory_space<semaphore_mem>>
        %dma_start3A = tpu.memref_slice %arg2[%add3A] : memref<640000xi32, #tpu.memory_space<hbm>> -> memref<1600xi32, #tpu.memory_space<hbm>>
        %dma_start3A_35 = tpu.memref_slice %arg2[%add3A] : memref<640000xi32, #tpu.memory_space<hbm>> -> memref<1600xi32, #tpu.memory_space<hbm>>
        tpu.enqueue_dma source(%dma_start3A_35 : memref<1600xi32, #tpu.memory_space<hbm>>) target(%arg7 : memref<1600xi32, #tpu.memory_space<vmem>>) target_semaphore(%run_scoped3A : memref<!tpu.dma_semaphore, #tpu.memory_space<semaphore_mem>>)
        %dma_wait3A = tpu.memref_slice %arg2[%add3A] : memref<640000xi32, #tpu.memory_space<hbm>> -> memref<1600xi32, #tpu.memory_space<hbm>>
        %dma_wait3A_36 = tpu.memref_slice %arg2[%add3A] : memref<640000xi32, #tpu.memory_space<hbm>> -> memref<1600xi32, #tpu.memory_space<hbm>>
        tpu.wait_dma2 semaphore(%run_scoped3A : memref<!tpu.dma_semaphore, #tpu.memory_space<semaphore_mem>>) src(%dma_wait3A_36 : memref<1600xi32, #tpu.memory_space<hbm>>) dst(%arg7 : memref<1600xi32, #tpu.memory_space<vmem>>)
        tpu.yield
      }) : () -> ()
      "tpu.region"() ({
        %run_scoped3A = tpu.sem_alloc : memref<!tpu.dma_semaphore, #tpu.memory_space<semaphore_mem>>
        %dma_start3A = tpu.memref_slice %arg3[%add3A] : memref<640000xi32, #tpu.memory_space<hbm>> -> memref<1600xi32, #tpu.memory_space<hbm>>
        %dma_start3A_35 = tpu.memref_slice %arg3[%add3A] : memref<640000xi32, #tpu.memory_space<hbm>> -> memref<1600xi32, #tpu.memory_space<hbm>>
        tpu.enqueue_dma source(%dma_start3A_35 : memref<1600xi32, #tpu.memory_space<hbm>>) target(%arg8 : memref<1600xi32, #tpu.memory_space<vmem>>) target_semaphore(%run_scoped3A : memref<!tpu.dma_semaphore, #tpu.memory_space<semaphore_mem>>)
        %dma_wait3A = tpu.memref_slice %arg3[%add3A] : memref<640000xi32, #tpu.memory_space<hbm>> -> memref<1600xi32, #tpu.memory_space<hbm>>
        %dma_wait3A_36 = tpu.memref_slice %arg3[%add3A] : memref<640000xi32, #tpu.memory_space<hbm>> -> memref<1600xi32, #tpu.memory_space<hbm>>
        tpu.wait_dma2 semaphore(%run_scoped3A : memref<!tpu.dma_semaphore, #tpu.memory_space<semaphore_mem>>) src(%dma_wait3A_36 : memref<1600xi32, #tpu.memory_space<hbm>>) dst(%arg8 : memref<1600xi32, #tpu.memory_space<vmem>>)
        tpu.yield
      }) : () -> ()
      %scan3A_27 = arith.constant 0 : i32
      %scan3A_28 = arith.constant 0 : i32
      %scan3A_29 = arith.constant 100 : i32
      %scan3A_30 = arith.addi %scan3A_28, %scan3A_29 : i32
      %scan3A_31 = arith.constant 1 : i32
      %scan3A_32 = scf.for %scan3A_35 = %scan3A_28 to %scan3A_30 step %scan3A_31 iter_args(%scan3A_36 = %scan3A_27) -> (i32)  : i32 {
        %mul3A_37 = arith.constant 16 : i32
        %mul3A_38 = arith.muli %scan3A_35, %mul3A_37 : i32
        %get3A = arith.index_cast %mul3A_38 : i32 to index
        %get3A_39 = tpu.vector_load %arg7[%get3A] {strides = array<i32>} : memref<1600xi32, #tpu.memory_space<vmem>>, vector<16xi32>,
        %mul3A_40 = arith.constant 16 : i32
        %mul3A_41 = arith.muli %scan3A_35, %mul3A_40 : i32
        %get3A_42 = arith.index_cast %mul3A_41 : i32 to index
        %get3A_43 = tpu.vector_load %arg8[%get3A_42] {strides = array<i32>} : memref<1600xi32, #tpu.memory_space<vmem>>, vector<16xi32>,
        %sub3A = vector.broadcast %mul3A_0 : i32 to vector<16xi32>
        %sub3A_44 = arith.subi %get3A_43, %sub3A : vector<16xi32>
        %ge3A = arith.constant 0 : i32
        %ge3A_45 = vector.broadcast %ge3A : i32 to vector<16xi32>
        %ge3A_46 = arith.cmpi sge, %sub3A_44, %ge3A_45 : vector<16xi32>
        %lt3A = arith.constant 5120 : i32
        %lt3A_47 = vector.broadcast %lt3A : i32 to vector<16xi32>
        %lt3A_48 = arith.cmpi slt, %sub3A_44, %lt3A_47 : vector<16xi32>
        %and3A = arith.andi %ge3A_46, %lt3A_48 : vector<16xi1>
        %jit3A = arith.constant 0 : i32
        %jit3A_49 = arith.constant 5119 : i32
        %max3A = vector.broadcast %jit3A : i32 to vector<16xi32>
        %max3A_50 = arith.maxsi %max3A, %sub3A_44 : vector<16xi32>
        %min3A = vector.broadcast %jit3A_49 : i32 to vector<16xi32>
        %min3A_51 = arith.minsi %min3A, %max3A_50 : vector<16xi32>
        %mul3A_52 = arith.constant 10240 : i32
        %mul3A_53 = vector.broadcast %mul3A_52 : i32 to vector<16xi32>
        %mul3A_54 = arith.muli %min3A_51, %mul3A_53 : vector<16xi32>
        %add3A_55 = arith.addi %mul3A_54, %get3A_39 : vector<16xi32>
        %shift_right_arithmetic3A = arith.constant 6 : i32
        %shift_right_arithmetic3A_56 = vector.broadcast %shift_right_arithmetic3A : i32 to vector<16xi32>
        %shift_right_arithmetic3A_57 = arith.shrsi %min3A_51, %shift_right_arithmetic3A_56 : vector<16xi32>
        %mul3A_58 = arith.constant 80 : i32
        %mul3A_59 = vector.broadcast %mul3A_58 : i32 to vector<16xi32>
        %mul3A_60 = arith.muli %iota3A, %mul3A_59 : vector<16xi32>
        %add3A_61 = arith.addi %mul3A_60, %shift_right_arithmetic3A_57 : vector<16xi32>
        %gather3A = tpu.vector_load_idx %arg10[%add3A_61] : memref<1280xi32, #tpu.memory_space<vmem>>[vector<16xi32>], vector<16xi32>,
        %mul3A_62 = arith.constant 64 : i32
        %mul3A_63 = vector.broadcast %mul3A_62 : i32 to vector<16xi32>
        %mul3A_64 = arith.muli %add3A_61, %mul3A_63 : vector<16xi32>
        %min3A_65 = arith.constant 63 : i32
        %min3A_66 = vector.broadcast %min3A_65 : i32 to vector<16xi32>
        %min3A_67 = arith.minsi %gather3A, %min3A_66 : vector<16xi32>
        %add3A_68 = arith.addi %mul3A_64, %min3A_67 : vector<16xi32>
        tpu.vector_store_idx %arg9[%add3A_68], %add3A_55 masked %and3A : memref<81920xi32, #tpu.memory_space<vmem>>[vector<16xi32>], vector<16xi32>, vector<16xi1>
        %jit3A_69 = arith.constant 1 : i32
        %jit3A_70 = arith.constant 0 : i32
        %broadcast_in_dim3A = vector.broadcast %jit3A_69 : i32 to vector<16xi32>
        %broadcast_in_dim3A_71 = vector.broadcast %jit3A_70 : i32 to vector<16xi32>
        %select_n3A = arith.select %and3A, %broadcast_in_dim3A, %broadcast_in_dim3A_71 : vector<16xi1>, vector<16xi32>
        %add3A_72 = arith.addi %gather3A, %select_n3A : vector<16xi32>
        tpu.vector_store_idx %arg10[%add3A_61], %add3A_72 : memref<1280xi32, #tpu.memory_space<vmem>>[vector<16xi32>], vector<16xi32>,
        %sub3A_73 = vector.broadcast %mul3A_0 : i32 to vector<16xi32>
        %sub3A_74 = arith.subi %get3A_39, %sub3A_73 : vector<16xi32>
        %ge3A_75 = arith.constant 0 : i32
        %ge3A_76 = vector.broadcast %ge3A_75 : i32 to vector<16xi32>
        %ge3A_77 = arith.cmpi sge, %sub3A_74, %ge3A_76 : vector<16xi32>
        %lt3A_78 = arith.constant 5120 : i32
        %lt3A_79 = vector.broadcast %lt3A_78 : i32 to vector<16xi32>
        %lt3A_80 = arith.cmpi slt, %sub3A_74, %lt3A_79 : vector<16xi32>
        %and3A_81 = arith.andi %ge3A_77, %lt3A_80 : vector<16xi1>
        %jit3A_82 = arith.constant 0 : i32
        %jit3A_83 = arith.constant 5119 : i32
        %max3A_84 = vector.broadcast %jit3A_82 : i32 to vector<16xi32>
        %max3A_85 = arith.maxsi %max3A_84, %sub3A_74 : vector<16xi32>
        %min3A_86 = vector.broadcast %jit3A_83 : i32 to vector<16xi32>
        %min3A_87 = arith.minsi %min3A_86, %max3A_85 : vector<16xi32>
        %mul3A_88 = arith.constant 10240 : i32
        %mul3A_89 = vector.broadcast %mul3A_88 : i32 to vector<16xi32>
        %mul3A_90 = arith.muli %min3A_87, %mul3A_89 : vector<16xi32>
        %add3A_91 = arith.addi %mul3A_90, %get3A_43 : vector<16xi32>
        %shift_right_arithmetic3A_92 = arith.constant 6 : i32
        %shift_right_arithmetic3A_93 = vector.broadcast %shift_right_arithmetic3A_92 : i32 to vector<16xi32>
        %shift_right_arithmetic3A_94 = arith.shrsi %min3A_87, %shift_right_arithmetic3A_93 : vector<16xi32>
        %mul3A_95 = arith.constant 80 : i32
        %mul3A_96 = vector.broadcast %mul3A_95 : i32 to vector<16xi32>
        %mul3A_97 = arith.muli %iota3A, %mul3A_96 : vector<16xi32>
        %add3A_98 = arith.addi %mul3A_97, %shift_right_arithmetic3A_94 : vector<16xi32>
        %gather3A_99 = tpu.vector_load_idx %arg10[%add3A_98] : memref<1280xi32, #tpu.memory_space<vmem>>[vector<16xi32>], vector<16xi32>,
        %mul3A_100 = arith.constant 64 : i32
        %mul3A_101 = vector.broadcast %mul3A_100 : i32 to vector<16xi32>
        %mul3A_102 = arith.muli %add3A_98, %mul3A_101 : vector<16xi32>
        %min3A_103 = arith.constant 63 : i32
        %min3A_104 = vector.broadcast %min3A_103 : i32 to vector<16xi32>
        %min3A_105 = arith.minsi %gather3A_99, %min3A_104 : vector<16xi32>
        %add3A_106 = arith.addi %mul3A_102, %min3A_105 : vector<16xi32>
        tpu.vector_store_idx %arg9[%add3A_106], %add3A_91 masked %and3A_81 : memref<81920xi32, #tpu.memory_space<vmem>>[vector<16xi32>], vector<16xi32>, vector<16xi1>
        %jit3A_107 = arith.constant 1 : i32
        %jit3A_108 = arith.constant 0 : i32
        %broadcast_in_dim3A_109 = vector.broadcast %jit3A_107 : i32 to vector<16xi32>
        %broadcast_in_dim3A_110 = vector.broadcast %jit3A_108 : i32 to vector<16xi32>
        %select_n3A_111 = arith.select %and3A_81, %broadcast_in_dim3A_109, %broadcast_in_dim3A_110 : vector<16xi1>, vector<16xi32>
        %add3A_112 = arith.addi %gather3A_99, %select_n3A_111 : vector<16xi32>
        tpu.vector_store_idx %arg10[%add3A_98], %add3A_112 : memref<1280xi32, #tpu.memory_space<vmem>>[vector<16xi32>], vector<16xi32>,
        %scan3A_113 = arith.constant 0 : i32
        scf.yield %scan3A_113 : i32
      }
      %scan3A_33 = arith.constant 100 : i32
      %scan3A_34 = arith.constant 0 : i32
      scf.yield %scan3A_34 : i32
    }
    %scan3A_13 = arith.constant 25 : i32
    %scan3A_14 = arith.constant 0 : i32
    %scan3A_15 = arith.constant 0 : i32
    %scan3A_16 = arith.constant 80 : i32
    %scan3A_17 = arith.addi %scan3A_15, %scan3A_16 : i32
    %scan3A_18 = arith.constant 1 : i32
    %scan3A_19 = scf.for %scan3A_21 = %scan3A_15 to %scan3A_17 step %scan3A_18 iter_args(%scan3A_22 = %scan3A_14) -> (i32)  : i32 {
      %mul3A_23 = arith.constant 655360 : i32
      %mul3A_24 = arith.muli %scan3A_21, %mul3A_23 : i32
      %barrier3A = arith.constant 0 : index
      tpu.barrier barrier_id(%barrier3A)
      %mul3A_25 = arith.constant 40960 : i32
      %mul3A_26 = arith.muli %arg1, %mul3A_25 : i32
      %mul3A_27 = arith.constant 40960 : i32
      %mul3A_28 = arith.muli %arg1, %mul3A_27 : i32
      "tpu.region"() ({
        %run_scoped3A = tpu.sem_alloc : memref<!tpu.dma_semaphore, #tpu.memory_space<semaphore_mem>>
        %dma_start3A = tpu.memref_slice %arg13[%mul3A_28] : memref<665600xf32, #tpu.memory_space<vmem_shared>> -> memref<40960xf32, #tpu.memory_space<vmem_shared>>
        %dma_start3A_48 = tpu.memref_slice %arg4[%mul3A_26] : memref<655360xf32, #tpu.memory_space<hbm>> -> memref<40960xf32, #tpu.memory_space<hbm>>
        tpu.enqueue_dma source(%dma_start3A_48 : memref<40960xf32, #tpu.memory_space<hbm>>) target(%dma_start3A : memref<40960xf32, #tpu.memory_space<vmem_shared>>) target_semaphore(%run_scoped3A : memref<!tpu.dma_semaphore, #tpu.memory_space<semaphore_mem>>)
        %dma_wait3A = tpu.memref_slice %arg13[%mul3A_28] : memref<665600xf32, #tpu.memory_space<vmem_shared>> -> memref<40960xf32, #tpu.memory_space<vmem_shared>>
        %dma_wait3A_49 = tpu.memref_slice %arg4[%mul3A_26] : memref<655360xf32, #tpu.memory_space<hbm>> -> memref<40960xf32, #tpu.memory_space<hbm>>
        tpu.wait_dma2 semaphore(%run_scoped3A : memref<!tpu.dma_semaphore, #tpu.memory_space<semaphore_mem>>) src(%dma_wait3A_49 : memref<40960xf32, #tpu.memory_space<hbm>>) dst(%dma_wait3A : memref<40960xf32, #tpu.memory_space<vmem_shared>>)
        tpu.yield
      }) : () -> ()
      %barrier3A_29 = arith.constant 0 : index
      tpu.barrier barrier_id(%barrier3A_29)
      %scan3A_30 = arith.constant 0 : i32
      %scan3A_31 = arith.constant 0 : i32
      %scan3A_32 = arith.constant 16 : i32
      %scan3A_33 = arith.addi %scan3A_31, %scan3A_32 : i32
      %scan3A_34 = arith.constant 1 : i32
      %scan3A_35 = scf.for %scan3A_48 = %scan3A_31 to %scan3A_33 step %scan3A_34 iter_args(%scan3A_49 = %scan3A_30) -> (i32)  : i32 {
        %mul3A_50 = arith.constant 80 : i32
        %mul3A_51 = arith.muli %scan3A_48, %mul3A_50 : i32
        %add3A_52 = arith.addi %mul3A_51, %scan3A_21 : i32
        %broadcast_in_dim3A = arith.constant 0 : i32
        %broadcast_in_dim3A_53 = vector.broadcast %broadcast_in_dim3A : i32 to vector<16xi32>
        %add3A_54 = vector.broadcast %add3A_52 : i32 to vector<16xi32>
        %add3A_55 = arith.addi %broadcast_in_dim3A_53, %add3A_54 : vector<16xi32>
        %gather3A = tpu.vector_load_idx %arg10[%add3A_55] : memref<1280xi32, #tpu.memory_space<vmem>>[vector<16xi32>], vector<16xi32>,
        %min3A = arith.constant 64 : i32
        %min3A_56 = vector.broadcast %min3A : i32 to vector<16xi32>
        %min3A_57 = arith.minsi %gather3A, %min3A_56 : vector<16xi32>
        %scan3A_58 = arith.constant 0 : i32
        %scan3A_59 = arith.constant 0 : i32
        %scan3A_60 = arith.constant 4 : i32
        %scan3A_61 = arith.addi %scan3A_59, %scan3A_60 : i32
        %scan3A_62 = arith.constant 1 : i32
        %scan3A_63 = scf.for %scan3A_66 = %scan3A_59 to %scan3A_61 step %scan3A_62 iter_args(%scan3A_67 = %scan3A_58) -> (i32)  : i32 {
          %mul3A_68 = arith.constant 16 : i32
          %mul3A_69 = arith.muli %scan3A_66, %mul3A_68 : i32
          %add3A_70 = vector.broadcast %mul3A_69 : i32 to vector<16xi32>
          %add3A_71 = arith.addi %iota3A, %add3A_70 : vector<16xi32>
          %lt3A = arith.cmpi slt, %add3A_71, %min3A_57 : vector<16xi32>
          %mul3A_72 = arith.constant 64 : i32
          %mul3A_73 = arith.muli %add3A_52, %mul3A_72 : i32
          %mul3A_74 = arith.constant 16 : i32
          %mul3A_75 = arith.muli %scan3A_66, %mul3A_74 : i32
          %add3A_76 = arith.addi %mul3A_73, %mul3A_75 : i32
          %get3A = arith.index_cast %add3A_76 : i32 to index
          %get3A_77 = tpu.vector_load %arg9[%get3A] {strides = array<i32>} : memref<81920xi32, #tpu.memory_space<vmem>>, vector<16xi32>,
          %sub3A = vector.broadcast %mul3A_24 : i32 to vector<16xi32>
          %sub3A_78 = arith.subi %get3A_77, %sub3A : vector<16xi32>
          %jit3A = arith.constant 0 : i32
          %jit3A_79 = arith.constant 655359 : i32
          %max3A = vector.broadcast %jit3A : i32 to vector<16xi32>
          %max3A_80 = arith.maxsi %max3A, %sub3A_78 : vector<16xi32>
          %min3A_81 = vector.broadcast %jit3A_79 : i32 to vector<16xi32>
          %min3A_82 = arith.minsi %min3A_81, %max3A_80 : vector<16xi32>
          %mul3A_83 = arith.constant 4 : i32
          %mul3A_84 = arith.muli %scan3A_48, %mul3A_83 : i32
          %add3A_85 = arith.addi %mul3A_84, %scan3A_66 : i32
          %mul3A_86 = arith.constant 16 : i32
          %mul3A_87 = arith.muli %add3A_85, %mul3A_86 : i32
          %add3A_88 = vector.broadcast %mul3A_87 : i32 to vector<16xi32>
          %add3A_89 = arith.addi %add3A_88, %iota3A : vector<16xi32>
          %and3A = arith.constant 8191 : i32
          %and3A_90 = vector.broadcast %and3A : i32 to vector<16xi32>
          %and3A_91 = arith.andi %add3A_89, %and3A_90 : vector<16xi32>
          %add3A_92 = arith.constant 655360 : i32
          %add3A_93 = vector.broadcast %add3A_92 : i32 to vector<16xi32>
          %add3A_94 = arith.addi %add3A_93, %and3A_91 : vector<16xi32>
          %select_n3A = arith.select %lt3A, %min3A_82, %add3A_94 : vector<16xi1>, vector<16xi32>
          %mul3A_95 = arith.constant 16 : i32
          %mul3A_96 = arith.muli %add3A_85, %mul3A_95 : i32
          %swap3A = arith.index_cast %mul3A_96 : i32 to index
          %swap3A_97 = tpu.vector_load %arg11[%swap3A] {strides = array<i32>} : memref<1024xi32, #tpu.memory_space<vmem>>, vector<16xi32>,
          tpu.vector_store %arg11[%swap3A], %select_n3A {strides = array<i32>} : memref<1024xi32, #tpu.memory_space<vmem>>, vector<16xi32>,
          %scan3A_98 = arith.constant 0 : i32
          scf.yield %scan3A_98 : i32
        }
        %scan3A_64 = arith.constant 4 : i32
        %scan3A_65 = arith.constant 0 : i32
        scf.yield %scan3A_65 : i32
      }
      %scan3A_36 = arith.constant 16 : i32
      "tpu.region"() ({
        %run_scoped3A = tpu.sem_alloc : memref<!tpu.dma_semaphore, #tpu.memory_space<semaphore_mem>>
        %dma_start3A = arith.constant 0 : i32
        %dma_start3A_48 = tpu.memref_slice %arg13[%dma_start3A] : memref<665600xf32, #tpu.memory_space<vmem_shared>> -> memref<665600xf32, #tpu.memory_space<vmem_shared>>
        tpu.enqueue_indirect_dma source(%arg12 : memref<1024xf32, #tpu.memory_space<vmem>>) target(%dma_start3A_48 : memref<665600xf32, #tpu.memory_space<vmem_shared>>) offsets(%arg11 : memref<1024xi32, #tpu.memory_space<vmem>>) semaphore(%run_scoped3A : memref<!tpu.dma_semaphore, #tpu.memory_space<semaphore_mem>>) {add = true}
        %dma_wait3A = arith.constant 0 : i32
        %dma_wait3A_49 = tpu.memref_slice %arg13[%dma_wait3A] : memref<665600xf32, #tpu.memory_space<vmem_shared>> -> memref<665600xf32, #tpu.memory_space<vmem_shared>>
        tpu.wait_indirect_dma semaphore(%run_scoped3A : memref<!tpu.dma_semaphore, #tpu.memory_space<semaphore_mem>>) src(%arg12 : memref<1024xf32, #tpu.memory_space<vmem>>) dst(%dma_wait3A_49 : memref<665600xf32, #tpu.memory_space<vmem_shared>>)
        tpu.yield
      }) : () -> ()
      %barrier3A_37 = arith.constant 0 : index
      tpu.barrier barrier_id(%barrier3A_37)
      %mul3A_38 = arith.constant 64 : i32
      %mul3A_39 = arith.muli %scan3A_21, %mul3A_38 : i32
      %add3A = arith.addi %mul3A_0, %mul3A_39 : i32
      %mul3A_40 = arith.constant 10240 : i32
      %mul3A_41 = arith.muli %add3A, %mul3A_40 : i32
      %mul3A_42 = arith.constant 40960 : i32
      %mul3A_43 = arith.muli %arg1, %mul3A_42 : i32
      %mul3A_44 = arith.constant 40960 : i32
      %mul3A_45 = arith.muli %arg1, %mul3A_44 : i32
      %add3A_46 = arith.addi %mul3A_41, %mul3A_45 : i32
      "tpu.region"() ({
        %run_scoped3A = tpu.sem_alloc : memref<!tpu.dma_semaphore, #tpu.memory_space<semaphore_mem>>
        %dma_start3A = tpu.memref_slice %arg6[%add3A_46] : memref<104857600xf32, #tpu.memory_space<hbm>> -> memref<40960xf32, #tpu.memory_space<hbm>>
        %dma_start3A_48 = tpu.memref_slice %arg13[%mul3A_43] : memref<665600xf32, #tpu.memory_space<vmem_shared>> -> memref<40960xf32, #tpu.memory_space<vmem_shared>>
        tpu.enqueue_dma source(%dma_start3A_48 : memref<40960xf32, #tpu.memory_space<vmem_shared>>) target(%dma_start3A : memref<40960xf32, #tpu.memory_space<hbm>>) target_semaphore(%run_scoped3A : memref<!tpu.dma_semaphore, #tpu.memory_space<semaphore_mem>>)
        %dma_wait3A = tpu.memref_slice %arg6[%add3A_46] : memref<104857600xf32, #tpu.memory_space<hbm>> -> memref<40960xf32, #tpu.memory_space<hbm>>
        %dma_wait3A_49 = tpu.memref_slice %arg13[%mul3A_43] : memref<665600xf32, #tpu.memory_space<vmem_shared>> -> memref<40960xf32, #tpu.memory_space<vmem_shared>>
        tpu.wait_dma2 semaphore(%run_scoped3A : memref<!tpu.dma_semaphore, #tpu.memory_space<semaphore_mem>>) src(%dma_wait3A_49 : memref<40960xf32, #tpu.memory_space<vmem_shared>>) dst(%dma_wait3A : memref<40960xf32, #tpu.memory_space<hbm>>)
        tpu.yield
      }) : () -> ()
      %scan3A_47 = arith.constant 0 : i32
      scf.yield %scan3A_47 : i32
    }
    %scan3A_20 = arith.constant 80 : i32
    return
  }
}

module attributes {stable_mosaic.version = 14 : i64} {
  func.func @_fuse_tables_kernel(%arg0: memref<88x64xf32, #tpu.memory_space<vmem>>, %arg1: memref<100x64xf32, #tpu.memory_space<vmem>>, %arg2: memref<7x4xf32, #tpu.memory_space<vmem>>, %arg3: memref<7x4xf32, #tpu.memory_space<vmem>>, %arg4: memref<8x4xf32, #tpu.memory_space<vmem>>, %arg5: memref<2x4xf32, #tpu.memory_space<vmem>>, %arg6: memref<6x4xf32, #tpu.memory_space<vmem>>, %arg7: memref<5x4xf32, #tpu.memory_space<vmem>>, %arg8: memref<136x64xf32, #tpu.memory_space<vmem>>) attributes {dimension_semantics = [], scalar_prefetch = 0 : i64, scratch_operands = 0 : i64, tpu.core_type = #tpu.core_type<tc>} {
    %get3A = arith.constant 0 : index
    %get3A_0 = arith.constant 0 : index
    %get3A_1 = vector.load %arg1[%get3A, %get3A_0] : memref<100x64xf32, #tpu.memory_space<vmem>>, vector<100x64xf32>
    %get3A_2 = arith.constant 0 : index
    %get3A_3 = arith.constant 0 : index
    %get3A_4 = vector.load %arg0[%get3A_2, %get3A_3] : memref<88x64xf32, #tpu.memory_space<vmem>>, vector<64x64xf32>
    %dot_general3A = arith.constant dense<0.000000e+00> : vector<100x64xf32>
    %dot_general3A_5 = tpu.matmul %get3A_1, %get3A_4, %dot_general3A {dimension_numbers = #tpu.dot_dimension_numbers<[1], [0], [0], [1], [0, 0, 1, 1], [], []>, precision = #tpu.contract_precision<fp32>, transpose_lhs_hint = false} : vector<100x64xf32>, vector<64x64xf32>, vector<100x64xf32> -> vector<100x64xf32>
    %get3A_6 = arith.constant 0 : index
    %get3A_7 = arith.constant 0 : index
    %get3A_8 = vector.load %arg2[%get3A_6, %get3A_7] : memref<7x4xf32, #tpu.memory_space<vmem>>, vector<7x4xf32>
    %get3A_9 = arith.constant 64 : index
    %get3A_10 = arith.constant 0 : index
    %get3A_11 = vector.load %arg0[%get3A_9, %get3A_10] : memref<88x64xf32, #tpu.memory_space<vmem>>, vector<4x64xf32>
    %dot_general3A_12 = arith.constant dense<0.000000e+00> : vector<7x64xf32>
    %dot_general3A_13 = tpu.matmul %get3A_8, %get3A_11, %dot_general3A_12 {dimension_numbers = #tpu.dot_dimension_numbers<[1], [0], [0], [1], [0, 0, 1, 1], [], []>, precision = #tpu.contract_precision<fp32>, transpose_lhs_hint = false} : vector<7x4xf32>, vector<4x64xf32>, vector<7x64xf32> -> vector<7x64xf32>
    %get3A_14 = arith.constant 0 : index
    %get3A_15 = arith.constant 0 : index
    %get3A_16 = vector.load %arg3[%get3A_14, %get3A_15] : memref<7x4xf32, #tpu.memory_space<vmem>>, vector<7x4xf32>
    %get3A_17 = arith.constant 68 : index
    %get3A_18 = arith.constant 0 : index
    %get3A_19 = vector.load %arg0[%get3A_17, %get3A_18] : memref<88x64xf32, #tpu.memory_space<vmem>>, vector<4x64xf32>
    %dot_general3A_20 = arith.constant dense<0.000000e+00> : vector<7x64xf32>
    %dot_general3A_21 = tpu.matmul %get3A_16, %get3A_19, %dot_general3A_20 {dimension_numbers = #tpu.dot_dimension_numbers<[1], [0], [0], [1], [0, 0, 1, 1], [], []>, precision = #tpu.contract_precision<fp32>, transpose_lhs_hint = false} : vector<7x4xf32>, vector<4x64xf32>, vector<7x64xf32> -> vector<7x64xf32>
    %get3A_22 = arith.constant 0 : index
    %get3A_23 = arith.constant 0 : index
    %get3A_24 = vector.load %arg4[%get3A_22, %get3A_23] : memref<8x4xf32, #tpu.memory_space<vmem>>, vector<8x4xf32>
    %get3A_25 = arith.constant 72 : index
    %get3A_26 = arith.constant 0 : index
    %get3A_27 = vector.load %arg0[%get3A_25, %get3A_26] : memref<88x64xf32, #tpu.memory_space<vmem>>, vector<4x64xf32>
    %dot_general3A_28 = arith.constant dense<0.000000e+00> : vector<8x64xf32>
    %dot_general3A_29 = tpu.matmul %get3A_24, %get3A_27, %dot_general3A_28 {dimension_numbers = #tpu.dot_dimension_numbers<[1], [0], [0], [1], [0, 0, 1, 1], [], []>, precision = #tpu.contract_precision<fp32>, transpose_lhs_hint = false} : vector<8x4xf32>, vector<4x64xf32>, vector<8x64xf32> -> vector<8x64xf32>
    %get3A_30 = arith.constant 0 : index
    %get3A_31 = arith.constant 0 : index
    %get3A_32 = vector.load %arg5[%get3A_30, %get3A_31] : memref<2x4xf32, #tpu.memory_space<vmem>>, vector<2x4xf32>
    %get3A_33 = arith.constant 76 : index
    %get3A_34 = arith.constant 0 : index
    %get3A_35 = vector.load %arg0[%get3A_33, %get3A_34] : memref<88x64xf32, #tpu.memory_space<vmem>>, vector<4x64xf32>
    %dot_general3A_36 = arith.constant dense<0.000000e+00> : vector<2x64xf32>
    %dot_general3A_37 = tpu.matmul %get3A_32, %get3A_35, %dot_general3A_36 {dimension_numbers = #tpu.dot_dimension_numbers<[1], [0], [0], [1], [0, 0, 1, 1], [], []>, precision = #tpu.contract_precision<fp32>, transpose_lhs_hint = false} : vector<2x4xf32>, vector<4x64xf32>, vector<2x64xf32> -> vector<2x64xf32>
    %get3A_38 = arith.constant 0 : index
    %get3A_39 = arith.constant 0 : index
    %get3A_40 = vector.load %arg6[%get3A_38, %get3A_39] : memref<6x4xf32, #tpu.memory_space<vmem>>, vector<6x4xf32>
    %get3A_41 = arith.constant 80 : index
    %get3A_42 = arith.constant 0 : index
    %get3A_43 = vector.load %arg0[%get3A_41, %get3A_42] : memref<88x64xf32, #tpu.memory_space<vmem>>, vector<4x64xf32>
    %dot_general3A_44 = arith.constant dense<0.000000e+00> : vector<6x64xf32>
    %dot_general3A_45 = tpu.matmul %get3A_40, %get3A_43, %dot_general3A_44 {dimension_numbers = #tpu.dot_dimension_numbers<[1], [0], [0], [1], [0, 0, 1, 1], [], []>, precision = #tpu.contract_precision<fp32>, transpose_lhs_hint = false} : vector<6x4xf32>, vector<4x64xf32>, vector<6x64xf32> -> vector<6x64xf32>
    %get3A_46 = arith.constant 0 : index
    %get3A_47 = arith.constant 0 : index
    %get3A_48 = vector.load %arg7[%get3A_46, %get3A_47] : memref<5x4xf32, #tpu.memory_space<vmem>>, vector<5x4xf32>
    %get3A_49 = arith.constant 84 : index
    %get3A_50 = arith.constant 0 : index
    %get3A_51 = vector.load %arg0[%get3A_49, %get3A_50] : memref<88x64xf32, #tpu.memory_space<vmem>>, vector<4x64xf32>
    %dot_general3A_52 = arith.constant dense<0.000000e+00> : vector<5x64xf32>
    %dot_general3A_53 = tpu.matmul %get3A_48, %get3A_51, %dot_general3A_52 {dimension_numbers = #tpu.dot_dimension_numbers<[1], [0], [0], [1], [0, 0, 1, 1], [], []>, precision = #tpu.contract_precision<fp32>, transpose_lhs_hint = false} : vector<5x4xf32>, vector<4x64xf32>, vector<5x64xf32> -> vector<5x64xf32>
    %broadcast_in_dim3A = arith.constant 0.000000e+00 : f32
    %broadcast_in_dim3A_54 = vector.broadcast %broadcast_in_dim3A : f32 to vector<1x64xf32>
    %concatenate3A = tpu.concatenate %dot_general3A_5, %dot_general3A_13, %dot_general3A_21, %dot_general3A_29, %dot_general3A_37, %dot_general3A_45, %dot_general3A_53, %broadcast_in_dim3A_54 in 0 : vector<100x64xf32>, vector<7x64xf32>, vector<7x64xf32>, vector<8x64xf32>, vector<2x64xf32>, vector<6x64xf32>, vector<5x64xf32>, vector<1x64xf32> -> vector<136x64xf32>
    %swap3A = arith.constant 0 : index
    %swap3A_55 = arith.constant 0 : index
    %swap3A_56 = vector.load %arg8[%swap3A, %swap3A_55] : memref<136x64xf32, #tpu.memory_space<vmem>>, vector<136x64xf32>
    tpu.vector_store %arg8[%swap3A, %swap3A_55], %concatenate3A {strides = array<i32>} : memref<136x64xf32, #tpu.memory_space<vmem>>, vector<136x64xf32>,
    return
  }
}

module attributes {stable_mosaic.version = 14 : i64} {
  func.func @_embed_kernel(%arg0: i32, %arg1: memref<1024x8xi32, #tpu.memory_space<vmem>>, %arg2: memref<136x64xf32, #tpu.memory_space<vmem>>, %arg3: memref<1x64xf32, #tpu.memory_space<vmem>>, %arg4: memref<1024x64xf32, #tpu.memory_space<vmem>>) attributes {dimension_semantics = [#tpu.dimension_semantics<arbitrary>], iteration_bounds = array<i64: 10>, scalar_prefetch = 0 : i64, scratch_operands = 0 : i64, tpu.core_type = #tpu.core_type<tc>, window_params = [{transform_indices = @transform_0, window_bounds = array<i64: 1024, 8>}, {pipeline_mode = #tpu.pipeline_mode<synchronous>, transform_indices = @transform_1, window_bounds = array<i64: 136, 64>}, {pipeline_mode = #tpu.pipeline_mode<synchronous>, transform_indices = @transform_2, window_bounds = array<i64: 1, 64>}, {transform_indices = @transform_3, window_bounds = array<i64: 1024, 64>}]} {
    %broadcast_in_dim3A = arith.constant 0.000000e+00 : f32
    %broadcast_in_dim3A_0 = vector.broadcast %broadcast_in_dim3A : f32 to vector<1024x136xf32>
    %iota3A = tpu.iota {dimensions = array<i32: 1>} : vector<1024x136xi32>
    %get3A = arith.constant 0 : index
    %get3A_1 = arith.constant 0 : index
    %get3A_2 = vector.load %arg1[%get3A, %get3A_1] : memref<1024x8xi32, #tpu.memory_space<vmem>>, vector<1024x1xi32>
    %add3A = arith.constant 0 : i32
    %add3A_3 = vector.broadcast %add3A : i32 to vector<1024x1xi32>
    %add3A_4 = arith.addi %get3A_2, %add3A_3 : vector<1024x1xi32>
    %eq3A = vector.broadcast %add3A_4 : vector<1024x1xi32> to vector<1024x136xi32>
    %eq3A_5 = arith.cmpi eq, %iota3A, %eq3A : vector<1024x136xi32>
    %convert_element_type3A = arith.extui %eq3A_5 : vector<1024x136xi1> to vector<1024x136xi32>
    %convert_element_type3A_6 = arith.sitofp %convert_element_type3A : vector<1024x136xi32> to vector<1024x136xf32>
    %add3A_7 = arith.addf %broadcast_in_dim3A_0, %convert_element_type3A_6 : vector<1024x136xf32>
    %get3A_8 = arith.constant 0 : index
    %get3A_9 = arith.constant 1 : index
    %get3A_10 = vector.load %arg1[%get3A_8, %get3A_9] : memref<1024x8xi32, #tpu.memory_space<vmem>>, vector<1024x1xi32>
    %add3A_11 = arith.constant 100 : i32
    %add3A_12 = vector.broadcast %add3A_11 : i32 to vector<1024x1xi32>
    %add3A_13 = arith.addi %get3A_10, %add3A_12 : vector<1024x1xi32>
    %eq3A_14 = vector.broadcast %add3A_13 : vector<1024x1xi32> to vector<1024x136xi32>
    %eq3A_15 = arith.cmpi eq, %iota3A, %eq3A_14 : vector<1024x136xi32>
    %convert_element_type3A_16 = arith.extui %eq3A_15 : vector<1024x136xi1> to vector<1024x136xi32>
    %convert_element_type3A_17 = arith.sitofp %convert_element_type3A_16 : vector<1024x136xi32> to vector<1024x136xf32>
    %add3A_18 = arith.addf %add3A_7, %convert_element_type3A_17 : vector<1024x136xf32>
    %get3A_19 = arith.constant 0 : index
    %get3A_20 = arith.constant 2 : index
    %get3A_21 = vector.load %arg1[%get3A_19, %get3A_20] : memref<1024x8xi32, #tpu.memory_space<vmem>>, vector<1024x1xi32>
    %add3A_22 = arith.constant 107 : i32
    %add3A_23 = vector.broadcast %add3A_22 : i32 to vector<1024x1xi32>
    %add3A_24 = arith.addi %get3A_21, %add3A_23 : vector<1024x1xi32>
    %eq3A_25 = vector.broadcast %add3A_24 : vector<1024x1xi32> to vector<1024x136xi32>
    %eq3A_26 = arith.cmpi eq, %iota3A, %eq3A_25 : vector<1024x136xi32>
    %convert_element_type3A_27 = arith.extui %eq3A_26 : vector<1024x136xi1> to vector<1024x136xi32>
    %convert_element_type3A_28 = arith.sitofp %convert_element_type3A_27 : vector<1024x136xi32> to vector<1024x136xf32>
    %add3A_29 = arith.addf %add3A_18, %convert_element_type3A_28 : vector<1024x136xf32>
    %get3A_30 = arith.constant 0 : index
    %get3A_31 = arith.constant 3 : index
    %get3A_32 = vector.load %arg1[%get3A_30, %get3A_31] : memref<1024x8xi32, #tpu.memory_space<vmem>>, vector<1024x1xi32>
    %add3A_33 = arith.constant 114 : i32
    %add3A_34 = vector.broadcast %add3A_33 : i32 to vector<1024x1xi32>
    %add3A_35 = arith.addi %get3A_32, %add3A_34 : vector<1024x1xi32>
    %eq3A_36 = vector.broadcast %add3A_35 : vector<1024x1xi32> to vector<1024x136xi32>
    %eq3A_37 = arith.cmpi eq, %iota3A, %eq3A_36 : vector<1024x136xi32>
    %convert_element_type3A_38 = arith.extui %eq3A_37 : vector<1024x136xi1> to vector<1024x136xi32>
    %convert_element_type3A_39 = arith.sitofp %convert_element_type3A_38 : vector<1024x136xi32> to vector<1024x136xf32>
    %add3A_40 = arith.addf %add3A_29, %convert_element_type3A_39 : vector<1024x136xf32>
    %get3A_41 = arith.constant 0 : index
    %get3A_42 = arith.constant 4 : index
    %get3A_43 = vector.load %arg1[%get3A_41, %get3A_42] : memref<1024x8xi32, #tpu.memory_space<vmem>>, vector<1024x1xi32>
    %add3A_44 = arith.constant 122 : i32
    %add3A_45 = vector.broadcast %add3A_44 : i32 to vector<1024x1xi32>
    %add3A_46 = arith.addi %get3A_43, %add3A_45 : vector<1024x1xi32>
    %eq3A_47 = vector.broadcast %add3A_46 : vector<1024x1xi32> to vector<1024x136xi32>
    %eq3A_48 = arith.cmpi eq, %iota3A, %eq3A_47 : vector<1024x136xi32>
    %convert_element_type3A_49 = arith.extui %eq3A_48 : vector<1024x136xi1> to vector<1024x136xi32>
    %convert_element_type3A_50 = arith.sitofp %convert_element_type3A_49 : vector<1024x136xi32> to vector<1024x136xf32>
    %add3A_51 = arith.addf %add3A_40, %convert_element_type3A_50 : vector<1024x136xf32>
    %get3A_52 = arith.constant 0 : index
    %get3A_53 = arith.constant 5 : index
    %get3A_54 = vector.load %arg1[%get3A_52, %get3A_53] : memref<1024x8xi32, #tpu.memory_space<vmem>>, vector<1024x1xi32>
    %add3A_55 = arith.constant 124 : i32
    %add3A_56 = vector.broadcast %add3A_55 : i32 to vector<1024x1xi32>
    %add3A_57 = arith.addi %get3A_54, %add3A_56 : vector<1024x1xi32>
    %eq3A_58 = vector.broadcast %add3A_57 : vector<1024x1xi32> to vector<1024x136xi32>
    %eq3A_59 = arith.cmpi eq, %iota3A, %eq3A_58 : vector<1024x136xi32>
    %convert_element_type3A_60 = arith.extui %eq3A_59 : vector<1024x136xi1> to vector<1024x136xi32>
    %convert_element_type3A_61 = arith.sitofp %convert_element_type3A_60 : vector<1024x136xi32> to vector<1024x136xf32>
    %add3A_62 = arith.addf %add3A_51, %convert_element_type3A_61 : vector<1024x136xf32>
    %get3A_63 = arith.constant 0 : index
    %get3A_64 = arith.constant 6 : index
    %get3A_65 = vector.load %arg1[%get3A_63, %get3A_64] : memref<1024x8xi32, #tpu.memory_space<vmem>>, vector<1024x1xi32>
    %add3A_66 = arith.constant 130 : i32
    %add3A_67 = vector.broadcast %add3A_66 : i32 to vector<1024x1xi32>
    %add3A_68 = arith.addi %get3A_65, %add3A_67 : vector<1024x1xi32>
    %eq3A_69 = vector.broadcast %add3A_68 : vector<1024x1xi32> to vector<1024x136xi32>
    %eq3A_70 = arith.cmpi eq, %iota3A, %eq3A_69 : vector<1024x136xi32>
    %convert_element_type3A_71 = arith.extui %eq3A_70 : vector<1024x136xi1> to vector<1024x136xi32>
    %convert_element_type3A_72 = arith.sitofp %convert_element_type3A_71 : vector<1024x136xi32> to vector<1024x136xf32>
    %add3A_73 = arith.addf %add3A_62, %convert_element_type3A_72 : vector<1024x136xf32>
    %get3A_74 = arith.constant 0 : index
    %get3A_75 = arith.constant 0 : index
    %get3A_76 = vector.load %arg2[%get3A_74, %get3A_75] : memref<136x64xf32, #tpu.memory_space<vmem>>, vector<136x64xf32>
    %dot_general3A = arith.constant dense<0.000000e+00> : vector<1024x64xf32>
    %dot_general3A_77 = tpu.matmul %add3A_73, %get3A_76, %dot_general3A {dimension_numbers = #tpu.dot_dimension_numbers<[1], [0], [0], [1], [0, 0, 1, 1], [], []>, precision = #tpu.contract_precision<fp32>, transpose_lhs_hint = false} : vector<1024x136xf32>, vector<136x64xf32>, vector<1024x64xf32> -> vector<1024x64xf32>
    %get3A_78 = arith.constant 0 : index
    %get3A_79 = arith.constant 0 : index
    %get3A_80 = vector.load %arg3[%get3A_78, %get3A_79] : memref<1x64xf32, #tpu.memory_space<vmem>>, vector<1x64xf32>
    %add3A_81 = vector.broadcast %get3A_80 : vector<1x64xf32> to vector<1024x64xf32>
    %add3A_82 = arith.addf %dot_general3A_77, %add3A_81 : vector<1024x64xf32>
    %swap3A = arith.constant 0 : index
    %swap3A_83 = arith.constant 0 : index
    %swap3A_84 = vector.load %arg4[%swap3A, %swap3A_83] : memref<1024x64xf32, #tpu.memory_space<vmem>>, vector<1024x64xf32>
    tpu.vector_store %arg4[%swap3A, %swap3A_83], %add3A_82 {strides = array<i32>} : memref<1024x64xf32, #tpu.memory_space<vmem>>, vector<1024x64xf32>,
    return
  }
  func.func @transform_0(%arg0: i32) -> (i32, i32) {
    %c0_i32 = arith.constant 0 : i32
    %c0_i32_0 = arith.constant 0 : i32
    return %arg0, %c0_i32 : i32, i32
  }
  func.func @transform_1(%arg0: i32) -> (i32, i32) {
    %c0_i32 = arith.constant 0 : i32
    %c0_i32_0 = arith.constant 0 : i32
    %c0_i32_1 = arith.constant 0 : i32
    return %c0_i32, %c0_i32_0 : i32, i32
  }
  func.func @transform_2(%arg0: i32) -> (i32, i32) {
    %c0_i32 = arith.constant 0 : i32
    %c0_i32_0 = arith.constant 0 : i32
    %c0_i32_1 = arith.constant 0 : i32
    return %c0_i32, %c0_i32_0 : i32, i32
  }
  func.func @transform_3(%arg0: i32) -> (i32, i32) {
    %c0_i32 = arith.constant 0 : i32
    %c0_i32_0 = arith.constant 0 : i32
    return %arg0, %c0_i32 : i32, i32
  }
}

module attributes {stable_mosaic.version = 14 : i64} {
  func.func @_cast_kernel(%arg0: i32, %arg1: memref<256x10240xf32, #tpu.memory_space<vmem>>, %arg2: memref<256x10240xbf16, #tpu.memory_space<vmem>>) attributes {dimension_semantics = [#tpu.dimension_semantics<arbitrary>], iteration_bounds = array<i64: 40>, scalar_prefetch = 0 : i64, scratch_operands = 0 : i64, tpu.core_type = #tpu.core_type<tc>, window_params = [{transform_indices = @transform_0, window_bounds = array<i64: 256, 10240>}, {transform_indices = @transform_1, window_bounds = array<i64: 256, 10240>}]} {
    %get3A = arith.constant 0 : index
    %get3A_0 = arith.constant 0 : index
    %get3A_1 = vector.load %arg1[%get3A, %get3A_0] : memref<256x10240xf32, #tpu.memory_space<vmem>>, vector<256x10240xf32>
    %convert_element_type3A = arith.truncf %get3A_1 : vector<256x10240xf32> to vector<256x10240xbf16>
    %swap3A = arith.constant 0 : index
    %swap3A_2 = arith.constant 0 : index
    %swap3A_3 = vector.load %arg2[%swap3A, %swap3A_2] : memref<256x10240xbf16, #tpu.memory_space<vmem>>, vector<256x10240xbf16>
    tpu.vector_store %arg2[%swap3A, %swap3A_2], %convert_element_type3A {strides = array<i32>} : memref<256x10240xbf16, #tpu.memory_space<vmem>>, vector<256x10240xbf16>,
    return
  }
  func.func @transform_0(%arg0: i32) -> (i32, i32) {
    %c0_i32 = arith.constant 0 : i32
    %c0_i32_0 = arith.constant 0 : i32
    return %arg0, %c0_i32 : i32, i32
  }
  func.func @transform_1(%arg0: i32) -> (i32, i32) {
    %c0_i32 = arith.constant 0 : i32
    %c0_i32_0 = arith.constant 0 : i32
    return %arg0, %c0_i32 : i32, i32
  }
}

module attributes {stable_mosaic.version = 14 : i64} {
  func.func @_spmm_kernel(%arg0: i32, %arg1: i32, %arg2: memref<1024x2048xbf16, #tpu.memory_space<vmem>>, %arg3: memref<2048x64xf32, #tpu.memory_space<vmem>>, %arg4: memref<1x64xf32, #tpu.memory_space<vmem>>, %arg5: memref<1024x64xf32, #tpu.memory_space<vmem>>) attributes {dimension_semantics = [#tpu.dimension_semantics<arbitrary>, #tpu.dimension_semantics<arbitrary>], iteration_bounds = array<i64: 10, 5>, scalar_prefetch = 0 : i64, scratch_operands = 0 : i64, tpu.core_type = #tpu.core_type<tc>, window_params = [{transform_indices = @transform_0, window_bounds = array<i64: 1024, 2048>}, {transform_indices = @transform_1, window_bounds = array<i64: 2048, 64>}, {pipeline_mode = #tpu.pipeline_mode<synchronous>, transform_indices = @transform_2, window_bounds = array<i64: 1, 64>}, {transform_indices = @transform_3, window_bounds = array<i64: 1024, 64>}]} {
    %eq3A = arith.constant 0 : i32
    %eq3A_0 = arith.cmpi eq, %arg1, %eq3A : i32
    %convert_element_type3A = arith.extui %eq3A_0 : i1 to i32
    %cond3A = arith.constant 0 : i32
    %cond3A_1 = arith.cmpi ne, %convert_element_type3A, %cond3A : i32
    scf.if %cond3A_1 {
      %broadcast_in_dim3A = arith.constant 0.000000e+00 : f32
      %broadcast_in_dim3A_26 = vector.broadcast %broadcast_in_dim3A : f32 to vector<1024x64xf32>
      %swap3A_27 = arith.constant 0 : index
      %swap3A_28 = arith.constant 0 : index
      %swap3A_29 = vector.load %arg5[%swap3A_27, %swap3A_28] : memref<1024x64xf32, #tpu.memory_space<vmem>>, vector<1024x64xf32>
      tpu.vector_store %arg5[%swap3A_27, %swap3A_28], %broadcast_in_dim3A_26 {strides = array<i32>} : memref<1024x64xf32, #tpu.memory_space<vmem>>, vector<1024x64xf32>,
    } else {
    }
    %get3A = arith.constant 0 : index
    %get3A_2 = arith.constant 0 : index
    %get3A_3 = vector.load %arg3[%get3A, %get3A_2] : memref<2048x64xf32, #tpu.memory_space<vmem>>, vector<2048x64xf32>
    %get3A_4 = arith.constant 0 : index
    %get3A_5 = arith.constant 0 : index
    %get3A_6 = vector.load %arg4[%get3A_4, %get3A_5] : memref<1x64xf32, #tpu.memory_space<vmem>>, vector<1x64xf32>
    %add3A = vector.broadcast %get3A_6 : vector<1x64xf32> to vector<2048x64xf32>
    %add3A_7 = arith.addf %get3A_3, %add3A : vector<2048x64xf32>
    %max3A = arith.constant 0.000000e+00 : f32
    %max3A_8 = vector.broadcast %max3A : f32 to vector<2048x64xf32>
    %max3A_9 = arith.maximumf %add3A_7, %max3A_8 : vector<2048x64xf32>
    %convert_element_type3A_10 = arith.truncf %max3A_9 : vector<2048x64xf32> to vector<2048x64xbf16>
    %convert_element_type3A_11 = arith.extf %convert_element_type3A_10 : vector<2048x64xbf16> to vector<2048x64xf32>
    %sub3A = arith.subf %max3A_9, %convert_element_type3A_11 : vector<2048x64xf32>
    %convert_element_type3A_12 = arith.truncf %sub3A : vector<2048x64xf32> to vector<2048x64xbf16>
    %get3A_13 = arith.constant 0 : index
    %get3A_14 = arith.constant 0 : index
    %get3A_15 = vector.load %arg2[%get3A_13, %get3A_14] : memref<1024x2048xbf16, #tpu.memory_space<vmem>>, vector<1024x2048xbf16>
    %dot_general3A = arith.constant dense<0.000000e+00> : vector<1024x64xf32>
    %dot_general3A_16 = tpu.matmul %get3A_15, %convert_element_type3A_10, %dot_general3A {dimension_numbers = #tpu.dot_dimension_numbers<[1], [0], [0], [1], [0, 0, 1, 1], [], []>, transpose_lhs_hint = false} : vector<1024x2048xbf16>, vector<2048x64xbf16>, vector<1024x64xf32> -> vector<1024x64xf32>
    %dot_general3A_17 = arith.constant dense<0.000000e+00> : vector<1024x64xf32>
    %dot_general3A_18 = tpu.matmul %get3A_15, %convert_element_type3A_12, %dot_general3A_17 {dimension_numbers = #tpu.dot_dimension_numbers<[1], [0], [0], [1], [0, 0, 1, 1], [], []>, transpose_lhs_hint = false} : vector<1024x2048xbf16>, vector<2048x64xbf16>, vector<1024x64xf32> -> vector<1024x64xf32>
    %add3A_19 = arith.addf %dot_general3A_16, %dot_general3A_18 : vector<1024x64xf32>
    %get3A_20 = arith.constant 0 : index
    %get3A_21 = arith.constant 0 : index
    %get3A_22 = vector.load %arg5[%get3A_20, %get3A_21] : memref<1024x64xf32, #tpu.memory_space<vmem>>, vector<1024x64xf32>
    %add3A_23 = arith.addf %get3A_22, %add3A_19 : vector<1024x64xf32>
    %swap3A = arith.constant 0 : index
    %swap3A_24 = arith.constant 0 : index
    %swap3A_25 = vector.load %arg5[%swap3A, %swap3A_24] : memref<1024x64xf32, #tpu.memory_space<vmem>>, vector<1024x64xf32>
    tpu.vector_store %arg5[%swap3A, %swap3A_24], %add3A_23 {strides = array<i32>} : memref<1024x64xf32, #tpu.memory_space<vmem>>, vector<1024x64xf32>,
    return
  }
  func.func @transform_0(%arg0: i32, %arg1: i32) -> (i32, i32) {
    %c0_i32 = arith.constant 0 : i32
    return %arg0, %arg1 : i32, i32
  }
  func.func @transform_1(%arg0: i32, %arg1: i32) -> (i32, i32) {
    %c0_i32 = arith.constant 0 : i32
    %c0_i32_0 = arith.constant 0 : i32
    return %arg1, %c0_i32 : i32, i32
  }
  func.func @transform_2(%arg0: i32, %arg1: i32) -> (i32, i32) {
    %c0_i32 = arith.constant 0 : i32
    %c0_i32_0 = arith.constant 0 : i32
    %c0_i32_1 = arith.constant 0 : i32
    return %c0_i32, %c0_i32_0 : i32, i32
  }
  func.func @transform_3(%arg0: i32, %arg1: i32) -> (i32, i32) {
    %c0_i32 = arith.constant 0 : i32
    %c0_i32_0 = arith.constant 0 : i32
    return %arg0, %c0_i32 : i32, i32
  }
}

module attributes {stable_mosaic.version = 14 : i64} {
  func.func @_post_kernel(%arg0: i32, %arg1: memref<1024x64xf32, #tpu.memory_space<vmem>>, %arg2: memref<1024x64xf32, #tpu.memory_space<vmem>>, %arg3: memref<64x64xf32, #tpu.memory_space<vmem>>, %arg4: memref<1x64xf32, #tpu.memory_space<vmem>>, %arg5: memref<1x64xf32, #tpu.memory_space<vmem>>, %arg6: memref<1x64xf32, #tpu.memory_space<vmem>>, %arg7: memref<1024x64xf32, #tpu.memory_space<vmem>>) attributes {dimension_semantics = [#tpu.dimension_semantics<arbitrary>], iteration_bounds = array<i64: 10>, scalar_prefetch = 0 : i64, scratch_operands = 0 : i64, tpu.core_type = #tpu.core_type<tc>, window_params = [{transform_indices = @transform_0, window_bounds = array<i64: 1024, 64>}, {transform_indices = @transform_1, window_bounds = array<i64: 1024, 64>}, {pipeline_mode = #tpu.pipeline_mode<synchronous>, transform_indices = @transform_2, window_bounds = array<i64: 64, 64>}, {pipeline_mode = #tpu.pipeline_mode<synchronous>, transform_indices = @transform_3, window_bounds = array<i64: 1, 64>}, {pipeline_mode = #tpu.pipeline_mode<synchronous>, transform_indices = @transform_4, window_bounds = array<i64: 1, 64>}, {pipeline_mode = #tpu.pipeline_mode<synchronous>, transform_indices = @transform_5, window_bounds = array<i64: 1, 64>}, {transform_indices = @transform_6, window_bounds = array<i64: 1024, 64>}]} {
    %get3A = arith.constant 0 : index
    %get3A_0 = arith.constant 0 : index
    %get3A_1 = vector.load %arg1[%get3A, %get3A_0] : memref<1024x64xf32, #tpu.memory_space<vmem>>, vector<1024x64xf32>
    %get3A_2 = arith.constant 0 : index
    %get3A_3 = arith.constant 0 : index
    %get3A_4 = vector.load %arg2[%get3A_2, %get3A_3] : memref<1024x64xf32, #tpu.memory_space<vmem>>, vector<1024x64xf32>
    %add3A = arith.addf %get3A_1, %get3A_4 : vector<1024x64xf32>
    %get3A_5 = arith.constant 0 : index
    %get3A_6 = arith.constant 0 : index
    %get3A_7 = vector.load %arg3[%get3A_5, %get3A_6] : memref<64x64xf32, #tpu.memory_space<vmem>>, vector<64x64xf32>
    %dot_general3A = arith.constant dense<0.000000e+00> : vector<1024x64xf32>
    %dot_general3A_8 = tpu.matmul %add3A, %get3A_7, %dot_general3A {dimension_numbers = #tpu.dot_dimension_numbers<[1], [0], [0], [1], [0, 0, 1, 1], [], []>, precision = #tpu.contract_precision<fp32>, transpose_lhs_hint = false} : vector<1024x64xf32>, vector<64x64xf32>, vector<1024x64xf32> -> vector<1024x64xf32>
    %get3A_9 = arith.constant 0 : index
    %get3A_10 = arith.constant 0 : index
    %get3A_11 = vector.load %arg4[%get3A_9, %get3A_10] : memref<1x64xf32, #tpu.memory_space<vmem>>, vector<1x64xf32>
    %add3A_12 = vector.broadcast %get3A_11 : vector<1x64xf32> to vector<1024x64xf32>
    %add3A_13 = arith.addf %dot_general3A_8, %add3A_12 : vector<1024x64xf32>
    %reduce_sum3A = arith.constant dense<0.000000e+00> : vector<1024xf32>
    %reduce_sum3A_14 = vector.multi_reduction <add>, %add3A_13, %reduce_sum3A [1] : vector<1024x64xf32> to vector<1024xf32>
    %broadcast_in_dim3A = vector.shape_cast %reduce_sum3A_14 : vector<1024xf32> to vector<1024x1xf32>
    %div3A = arith.constant 6.400000e+01 : f32
    %div3A_15 = vector.broadcast %div3A : f32 to vector<1024x1xf32>
    %div3A_16 = arith.divf %broadcast_in_dim3A, %div3A_15 : vector<1024x1xf32>
    %sub3A = vector.broadcast %div3A_16 : vector<1024x1xf32> to vector<1024x64xf32>
    %sub3A_17 = arith.subf %add3A_13, %sub3A : vector<1024x64xf32>
    %integer_pow3A = arith.mulf %sub3A_17, %sub3A_17 : vector<1024x64xf32>
    %reduce_sum3A_18 = arith.constant dense<0.000000e+00> : vector<1024xf32>
    %reduce_sum3A_19 = vector.multi_reduction <add>, %integer_pow3A, %reduce_sum3A_18 [1] : vector<1024x64xf32> to vector<1024xf32>
    %broadcast_in_dim3A_20 = vector.shape_cast %reduce_sum3A_19 : vector<1024xf32> to vector<1024x1xf32>
    %div3A_21 = arith.constant 6.400000e+01 : f32
    %div3A_22 = vector.broadcast %div3A_21 : f32 to vector<1024x1xf32>
    %div3A_23 = arith.divf %broadcast_in_dim3A_20, %div3A_22 : vector<1024x1xf32>
    %sub3A_24 = vector.broadcast %div3A_16 : vector<1024x1xf32> to vector<1024x64xf32>
    %sub3A_25 = arith.subf %add3A_13, %sub3A_24 : vector<1024x64xf32>
    %add3A_26 = arith.constant 9.99999974E-6 : f32
    %add3A_27 = vector.broadcast %add3A_26 : f32 to vector<1024x1xf32>
    %add3A_28 = arith.addf %div3A_23, %add3A_27 : vector<1024x1xf32>
    %sqrt3A = math.sqrt %add3A_28 : vector<1024x1xf32>
    %div3A_29 = vector.broadcast %sqrt3A : vector<1024x1xf32> to vector<1024x64xf32>
    %div3A_30 = arith.divf %sub3A_25, %div3A_29 : vector<1024x64xf32>
    %get3A_31 = arith.constant 0 : index
    %get3A_32 = arith.constant 0 : index
    %get3A_33 = vector.load %arg5[%get3A_31, %get3A_32] : memref<1x64xf32, #tpu.memory_space<vmem>>, vector<1x64xf32>
    %mul3A = vector.broadcast %get3A_33 : vector<1x64xf32> to vector<1024x64xf32>
    %mul3A_34 = arith.mulf %div3A_30, %mul3A : vector<1024x64xf32>
    %get3A_35 = arith.constant 0 : index
    %get3A_36 = arith.constant 0 : index
    %get3A_37 = vector.load %arg6[%get3A_35, %get3A_36] : memref<1x64xf32, #tpu.memory_space<vmem>>, vector<1x64xf32>
    %add3A_38 = vector.broadcast %get3A_37 : vector<1x64xf32> to vector<1024x64xf32>
    %add3A_39 = arith.addf %mul3A_34, %add3A_38 : vector<1024x64xf32>
    %swap3A = arith.constant 0 : index
    %swap3A_40 = arith.constant 0 : index
    %swap3A_41 = vector.load %arg7[%swap3A, %swap3A_40] : memref<1024x64xf32, #tpu.memory_space<vmem>>, vector<1024x64xf32>
    tpu.vector_store %arg7[%swap3A, %swap3A_40], %add3A_39 {strides = array<i32>} : memref<1024x64xf32, #tpu.memory_space<vmem>>, vector<1024x64xf32>,
    return
  }
  func.func @transform_0(%arg0: i32) -> (i32, i32) {
    %c0_i32 = arith.constant 0 : i32
    %c0_i32_0 = arith.constant 0 : i32
    return %arg0, %c0_i32 : i32, i32
  }
  func.func @transform_1(%arg0: i32) -> (i32, i32) {
    %c0_i32 = arith.constant 0 : i32
    %c0_i32_0 = arith.constant 0 : i32
    return %arg0, %c0_i32 : i32, i32
  }
  func.func @transform_2(%arg0: i32) -> (i32, i32) {
    %c0_i32 = arith.constant 0 : i32
    %c0_i32_0 = arith.constant 0 : i32
    %c0_i32_1 = arith.constant 0 : i32
    return %c0_i32, %c0_i32_0 : i32, i32
  }
  func.func @transform_3(%arg0: i32) -> (i32, i32) {
    %c0_i32 = arith.constant 0 : i32
    %c0_i32_0 = arith.constant 0 : i32
    %c0_i32_1 = arith.constant 0 : i32
    return %c0_i32, %c0_i32_0 : i32, i32
  }
  func.func @transform_4(%arg0: i32) -> (i32, i32) {
    %c0_i32 = arith.constant 0 : i32
    %c0_i32_0 = arith.constant 0 : i32
    %c0_i32_1 = arith.constant 0 : i32
    return %c0_i32, %c0_i32_0 : i32, i32
  }
  func.func @transform_5(%arg0: i32) -> (i32, i32) {
    %c0_i32 = arith.constant 0 : i32
    %c0_i32_0 = arith.constant 0 : i32
    %c0_i32_1 = arith.constant 0 : i32
    return %c0_i32, %c0_i32_0 : i32, i32
  }
  func.func @transform_6(%arg0: i32) -> (i32, i32) {
    %c0_i32 = arith.constant 0 : i32
    %c0_i32_0 = arith.constant 0 : i32
    return %arg0, %c0_i32 : i32, i32
  }
}

module attributes {stable_mosaic.version = 14 : i64} {
  func.func @_final_kernel(%arg0: i32, %arg1: memref<1024x64xf32, #tpu.memory_space<vmem>>, %arg2: memref<64x64xf32, #tpu.memory_space<vmem>>, %arg3: memref<1x64xf32, #tpu.memory_space<vmem>>, %arg4: memref<8192x64xf32, #tpu.memory_space<vmem>>, %arg5: memref<1024x64xf32, #tpu.memory_space<vmem>>, %arg6: memref<1024x64xf32, #tpu.memory_space<vmem>>, %arg7: memref<1024x1xi32, #tpu.memory_space<vmem>>, %arg8: memref<1x1xf32, #tpu.memory_space<vmem>>) attributes {dimension_semantics = [#tpu.dimension_semantics<arbitrary>], iteration_bounds = array<i64: 10>, scalar_prefetch = 0 : i64, scratch_operands = 0 : i64, tpu.core_type = #tpu.core_type<tc>, window_params = [{transform_indices = @transform_0, window_bounds = array<i64: 1024, 64>}, {pipeline_mode = #tpu.pipeline_mode<synchronous>, transform_indices = @transform_1, window_bounds = array<i64: 64, 64>}, {pipeline_mode = #tpu.pipeline_mode<synchronous>, transform_indices = @transform_2, window_bounds = array<i64: 1, 64>}, {pipeline_mode = #tpu.pipeline_mode<synchronous>, transform_indices = @transform_3, window_bounds = array<i64: 8192, 64>}, {transform_indices = @transform_4, window_bounds = array<i64: 1024, 64>}, {transform_indices = @transform_5, window_bounds = array<i64: 1024, 64>}, {transform_indices = @transform_6, window_bounds = array<i64: 1024, 1>}, {pipeline_mode = #tpu.pipeline_mode<synchronous>, transform_indices = @transform_7, window_bounds = array<i64: 1, 1>}]} {
    %get3A = arith.constant 0 : index
    %get3A_0 = arith.constant 0 : index
    %get3A_1 = vector.load %arg1[%get3A, %get3A_0] : memref<1024x64xf32, #tpu.memory_space<vmem>>, vector<1024x64xf32>
    %get3A_2 = arith.constant 0 : index
    %get3A_3 = arith.constant 0 : index
    %get3A_4 = vector.load %arg2[%get3A_2, %get3A_3] : memref<64x64xf32, #tpu.memory_space<vmem>>, vector<64x64xf32>
    %dot_general3A = arith.constant dense<0.000000e+00> : vector<1024x64xf32>
    %dot_general3A_5 = tpu.matmul %get3A_1, %get3A_4, %dot_general3A {dimension_numbers = #tpu.dot_dimension_numbers<[1], [0], [0], [1], [0, 0, 1, 1], [], []>, precision = #tpu.contract_precision<fp32>, transpose_lhs_hint = false} : vector<1024x64xf32>, vector<64x64xf32>, vector<1024x64xf32> -> vector<1024x64xf32>
    %get3A_6 = arith.constant 0 : index
    %get3A_7 = arith.constant 0 : index
    %get3A_8 = vector.load %arg3[%get3A_6, %get3A_7] : memref<1x64xf32, #tpu.memory_space<vmem>>, vector<1x64xf32>
    %add3A = vector.broadcast %get3A_8 : vector<1x64xf32> to vector<1024x64xf32>
    %add3A_9 = arith.addf %dot_general3A_5, %add3A : vector<1024x64xf32>
    %broadcast_in_dim3A = arith.constant 1.000000e+00 : f32
    %broadcast_in_dim3A_10 = vector.broadcast %broadcast_in_dim3A : f32 to vector<1024x1xf32>
    %mul3A = arith.constant -2.000000e+00 : f32
    %mul3A_11 = vector.broadcast %mul3A : f32 to vector<1024x64xf32>
    %mul3A_12 = arith.mulf %mul3A_11, %add3A_9 : vector<1024x64xf32>
    %concatenate3A = tpu.concatenate %mul3A_12, %broadcast_in_dim3A_10 in 1 : vector<1024x64xf32>, vector<1024x1xf32> -> vector<1024x65xf32>
    %convert_element_type3A = arith.truncf %concatenate3A : vector<1024x65xf32> to vector<1024x65xbf16>
    %convert_element_type3A_13 = arith.extf %convert_element_type3A : vector<1024x65xbf16> to vector<1024x65xf32>
    %sub3A = arith.subf %concatenate3A, %convert_element_type3A_13 : vector<1024x65xf32>
    %convert_element_type3A_14 = arith.truncf %sub3A : vector<1024x65xf32> to vector<1024x65xbf16>
    %broadcast_in_dim3A_15 = arith.constant 0x7F800000 : f32
    %broadcast_in_dim3A_16 = vector.broadcast %broadcast_in_dim3A_15 : f32 to vector<1024x1xf32>
    %broadcast_in_dim3A_17 = arith.constant 0 : i32
    %broadcast_in_dim3A_18 = vector.broadcast %broadcast_in_dim3A_17 : i32 to vector<1024x1xi32>
    %broadcast_in_dim3A_19 = arith.constant 0.000000e+00 : f32
    %broadcast_in_dim3A_20 = vector.broadcast %broadcast_in_dim3A_19 : f32 to vector<1024x64xf32>
    %iota3A = tpu.iota {dimensions = array<i32: 1>} : vector<1024x1024xi32>
    %get3A_21 = arith.constant 0 : index
    %get3A_22 = arith.constant 0 : index
    %get3A_23 = vector.load %arg4[%get3A_21, %get3A_22] : memref<8192x64xf32, #tpu.memory_space<vmem>>, vector<1024x64xf32>
    %mul3A_24 = arith.mulf %get3A_23, %get3A_23 : vector<1024x64xf32>
    %reduce_sum3A = arith.constant dense<0.000000e+00> : vector<1024xf32>
    %reduce_sum3A_25 = vector.multi_reduction <add>, %mul3A_24, %reduce_sum3A [1] : vector<1024x64xf32> to vector<1024xf32>
    %broadcast_in_dim3A_26 = vector.shape_cast %reduce_sum3A_25 : vector<1024xf32> to vector<1024x1xf32>
    %concatenate3A_27 = tpu.concatenate %get3A_23, %broadcast_in_dim3A_26 in 1 : vector<1024x64xf32>, vector<1024x1xf32> -> vector<1024x65xf32>
    %convert_element_type3A_28 = arith.truncf %concatenate3A_27 : vector<1024x65xf32> to vector<1024x65xbf16>
    %convert_element_type3A_29 = arith.extf %convert_element_type3A_28 : vector<1024x65xbf16> to vector<1024x65xf32>
    %sub3A_30 = arith.subf %concatenate3A_27, %convert_element_type3A_29 : vector<1024x65xf32>
    %convert_element_type3A_31 = arith.truncf %sub3A_30 : vector<1024x65xf32> to vector<1024x65xbf16>
    %dot_general3A_32 = arith.constant dense<0.000000e+00> : vector<1024x1024xf32>
    %dot_general3A_33 = tpu.matmul %convert_element_type3A, %convert_element_type3A_28, %dot_general3A_32 {dimension_numbers = #tpu.dot_dimension_numbers<[1], [1], [0], [0], [0, 0, 1, 0], [], []>, transpose_lhs_hint = false} : vector<1024x65xbf16>, vector<1024x65xbf16>, vector<1024x1024xf32> -> vector<1024x1024xf32>
    %dot_general3A_34 = arith.constant dense<0.000000e+00> : vector<1024x1024xf32>
    %dot_general3A_35 = tpu.matmul %convert_element_type3A, %convert_element_type3A_31, %dot_general3A_34 {dimension_numbers = #tpu.dot_dimension_numbers<[1], [1], [0], [0], [0, 0, 1, 0], [], []>, transpose_lhs_hint = false} : vector<1024x65xbf16>, vector<1024x65xbf16>, vector<1024x1024xf32> -> vector<1024x1024xf32>
    %add3A_36 = arith.addf %dot_general3A_33, %dot_general3A_35 : vector<1024x1024xf32>
    %dot_general3A_37 = arith.constant dense<0.000000e+00> : vector<1024x1024xf32>
    %dot_general3A_38 = tpu.matmul %convert_element_type3A_14, %convert_element_type3A_28, %dot_general3A_37 {dimension_numbers = #tpu.dot_dimension_numbers<[1], [1], [0], [0], [0, 0, 1, 0], [], []>, transpose_lhs_hint = false} : vector<1024x65xbf16>, vector<1024x65xbf16>, vector<1024x1024xf32> -> vector<1024x1024xf32>
    %add3A_39 = arith.addf %add3A_36, %dot_general3A_38 : vector<1024x1024xf32>
    %reduce_min3A = arith.constant dense<0x7F800000> : vector<1024xf32>
    %reduce_min3A_40 = vector.multi_reduction <minimumf>, %add3A_39, %reduce_min3A [1] : vector<1024x1024xf32> to vector<1024xf32>
    %broadcast_in_dim3A_41 = vector.shape_cast %reduce_min3A_40 : vector<1024xf32> to vector<1024x1xf32>
    %eq3A = vector.broadcast %broadcast_in_dim3A_41 : vector<1024x1xf32> to vector<1024x1024xf32>
    %eq3A_42 = arith.cmpf oeq, %add3A_39, %eq3A : vector<1024x1024xf32>
    %jit3A = arith.constant 1073741824 : i32
    %broadcast_in_dim3A_43 = vector.broadcast %jit3A : i32 to vector<1024x1024xi32>
    %select_n3A = arith.select %eq3A_42, %iota3A, %broadcast_in_dim3A_43 : vector<1024x1024xi1>, vector<1024x1024xi32>
    %reduce_min3A_44 = arith.constant dense<2147483647> : vector<1024xi32>
    %reduce_min3A_45 = vector.multi_reduction <minsi>, %select_n3A, %reduce_min3A_44 [1] : vector<1024x1024xi32> to vector<1024xi32>
    %broadcast_in_dim3A_46 = vector.shape_cast %reduce_min3A_45 : vector<1024xi32> to vector<1024x1xi32>
    %eq3A_47 = vector.broadcast %broadcast_in_dim3A_46 : vector<1024x1xi32> to vector<1024x1024xi32>
    %eq3A_48 = arith.cmpi eq, %iota3A, %eq3A_47 : vector<1024x1024xi32>
    %convert_element_type3A_49 = arith.extui %eq3A_48 : vector<1024x1024xi1> to vector<1024x1024xi32>
    %convert_element_type3A_50 = arith.sitofp %convert_element_type3A_49 : vector<1024x1024xi32> to vector<1024x1024xf32>
    %convert_element_type3A_51 = arith.truncf %convert_element_type3A_50 : vector<1024x1024xf32> to vector<1024x1024xbf16>
    %convert_element_type3A_52 = arith.truncf %get3A_23 : vector<1024x64xf32> to vector<1024x64xbf16>
    %convert_element_type3A_53 = arith.extf %convert_element_type3A_52 : vector<1024x64xbf16> to vector<1024x64xf32>
    %sub3A_54 = arith.subf %get3A_23, %convert_element_type3A_53 : vector<1024x64xf32>
    %convert_element_type3A_55 = arith.truncf %sub3A_54 : vector<1024x64xf32> to vector<1024x64xbf16>
    %dot_general3A_56 = arith.constant dense<0.000000e+00> : vector<1024x64xf32>
    %dot_general3A_57 = tpu.matmul %convert_element_type3A_51, %convert_element_type3A_52, %dot_general3A_56 {dimension_numbers = #tpu.dot_dimension_numbers<[1], [0], [0], [1], [0, 0, 1, 1], [], []>, transpose_lhs_hint = false} : vector<1024x1024xbf16>, vector<1024x64xbf16>, vector<1024x64xf32> -> vector<1024x64xf32>
    %dot_general3A_58 = arith.constant dense<0.000000e+00> : vector<1024x64xf32>
    %dot_general3A_59 = tpu.matmul %convert_element_type3A_51, %convert_element_type3A_55, %dot_general3A_58 {dimension_numbers = #tpu.dot_dimension_numbers<[1], [0], [0], [1], [0, 0, 1, 1], [], []>, transpose_lhs_hint = false} : vector<1024x1024xbf16>, vector<1024x64xbf16>, vector<1024x64xf32> -> vector<1024x64xf32>
    %add3A_60 = arith.addf %dot_general3A_57, %dot_general3A_59 : vector<1024x64xf32>
    %lt3A = arith.cmpf olt, %broadcast_in_dim3A_41, %broadcast_in_dim3A_16 : vector<1024x1xf32>
    %select_n3A_61 = arith.select %lt3A, %broadcast_in_dim3A_41, %broadcast_in_dim3A_16 : vector<1024x1xi1>, vector<1024x1xf32>
    %add3A_62 = arith.constant 0 : i32
    %add3A_63 = vector.broadcast %add3A_62 : i32 to vector<1024x1xi32>
    %add3A_64 = arith.addi %broadcast_in_dim3A_46, %add3A_63 : vector<1024x1xi32>
    %select_n3A_65 = arith.select %lt3A, %add3A_64, %broadcast_in_dim3A_18 : vector<1024x1xi1>, vector<1024x1xi32>
    %broadcast_in_dim3A_66 = vector.shape_cast %lt3A : vector<1024x1xi1> to vector<1024x1xi1>
    %broadcast_in_dim3A_67 = vector.broadcast %broadcast_in_dim3A_66 : vector<1024x1xi1> to vector<1024x64xi1>
    %select_n3A_68 = arith.select %broadcast_in_dim3A_67, %add3A_60, %broadcast_in_dim3A_20 : vector<1024x64xi1>, vector<1024x64xf32>
    %get3A_69 = arith.constant 1024 : index
    %get3A_70 = arith.constant 0 : index
    %get3A_71 = vector.load %arg4[%get3A_69, %get3A_70] : memref<8192x64xf32, #tpu.memory_space<vmem>>, vector<1024x64xf32>
    %mul3A_72 = arith.mulf %get3A_71, %get3A_71 : vector<1024x64xf32>
    %reduce_sum3A_73 = arith.constant dense<0.000000e+00> : vector<1024xf32>
    %reduce_sum3A_74 = vector.multi_reduction <add>, %mul3A_72, %reduce_sum3A_73 [1] : vector<1024x64xf32> to vector<1024xf32>
    %broadcast_in_dim3A_75 = vector.shape_cast %reduce_sum3A_74 : vector<1024xf32> to vector<1024x1xf32>
    %concatenate3A_76 = tpu.concatenate %get3A_71, %broadcast_in_dim3A_75 in 1 : vector<1024x64xf32>, vector<1024x1xf32> -> vector<1024x65xf32>
    %convert_element_type3A_77 = arith.truncf %concatenate3A_76 : vector<1024x65xf32> to vector<1024x65xbf16>
    %convert_element_type3A_78 = arith.extf %convert_element_type3A_77 : vector<1024x65xbf16> to vector<1024x65xf32>
    %sub3A_79 = arith.subf %concatenate3A_76, %convert_element_type3A_78 : vector<1024x65xf32>
    %convert_element_type3A_80 = arith.truncf %sub3A_79 : vector<1024x65xf32> to vector<1024x65xbf16>
    %dot_general3A_81 = arith.constant dense<0.000000e+00> : vector<1024x1024xf32>
    %dot_general3A_82 = tpu.matmul %convert_element_type3A, %convert_element_type3A_77, %dot_general3A_81 {dimension_numbers = #tpu.dot_dimension_numbers<[1], [1], [0], [0], [0, 0, 1, 0], [], []>, transpose_lhs_hint = false} : vector<1024x65xbf16>, vector<1024x65xbf16>, vector<1024x1024xf32> -> vector<1024x1024xf32>
    %dot_general3A_83 = arith.constant dense<0.000000e+00> : vector<1024x1024xf32>
    %dot_general3A_84 = tpu.matmul %convert_element_type3A, %convert_element_type3A_80, %dot_general3A_83 {dimension_numbers = #tpu.dot_dimension_numbers<[1], [1], [0], [0], [0, 0, 1, 0], [], []>, transpose_lhs_hint = false} : vector<1024x65xbf16>, vector<1024x65xbf16>, vector<1024x1024xf32> -> vector<1024x1024xf32>
    %add3A_85 = arith.addf %dot_general3A_82, %dot_general3A_84 : vector<1024x1024xf32>
    %dot_general3A_86 = arith.constant dense<0.000000e+00> : vector<1024x1024xf32>
    %dot_general3A_87 = tpu.matmul %convert_element_type3A_14, %convert_element_type3A_77, %dot_general3A_86 {dimension_numbers = #tpu.dot_dimension_numbers<[1], [1], [0], [0], [0, 0, 1, 0], [], []>, transpose_lhs_hint = false} : vector<1024x65xbf16>, vector<1024x65xbf16>, vector<1024x1024xf32> -> vector<1024x1024xf32>
    %add3A_88 = arith.addf %add3A_85, %dot_general3A_87 : vector<1024x1024xf32>
    %reduce_min3A_89 = arith.constant dense<0x7F800000> : vector<1024xf32>
    %reduce_min3A_90 = vector.multi_reduction <minimumf>, %add3A_88, %reduce_min3A_89 [1] : vector<1024x1024xf32> to vector<1024xf32>
    %broadcast_in_dim3A_91 = vector.shape_cast %reduce_min3A_90 : vector<1024xf32> to vector<1024x1xf32>
    %eq3A_92 = vector.broadcast %broadcast_in_dim3A_91 : vector<1024x1xf32> to vector<1024x1024xf32>
    %eq3A_93 = arith.cmpf oeq, %add3A_88, %eq3A_92 : vector<1024x1024xf32>
    %jit3A_94 = arith.constant 1073741824 : i32
    %broadcast_in_dim3A_95 = vector.broadcast %jit3A_94 : i32 to vector<1024x1024xi32>
    %select_n3A_96 = arith.select %eq3A_93, %iota3A, %broadcast_in_dim3A_95 : vector<1024x1024xi1>, vector<1024x1024xi32>
    %reduce_min3A_97 = arith.constant dense<2147483647> : vector<1024xi32>
    %reduce_min3A_98 = vector.multi_reduction <minsi>, %select_n3A_96, %reduce_min3A_97 [1] : vector<1024x1024xi32> to vector<1024xi32>
    %broadcast_in_dim3A_99 = vector.shape_cast %reduce_min3A_98 : vector<1024xi32> to vector<1024x1xi32>
    %eq3A_100 = vector.broadcast %broadcast_in_dim3A_99 : vector<1024x1xi32> to vector<1024x1024xi32>
    %eq3A_101 = arith.cmpi eq, %iota3A, %eq3A_100 : vector<1024x1024xi32>
    %convert_element_type3A_102 = arith.extui %eq3A_101 : vector<1024x1024xi1> to vector<1024x1024xi32>
    %convert_element_type3A_103 = arith.sitofp %convert_element_type3A_102 : vector<1024x1024xi32> to vector<1024x1024xf32>
    %convert_element_type3A_104 = arith.truncf %convert_element_type3A_103 : vector<1024x1024xf32> to vector<1024x1024xbf16>
    %convert_element_type3A_105 = arith.truncf %get3A_71 : vector<1024x64xf32> to vector<1024x64xbf16>
    %convert_element_type3A_106 = arith.extf %convert_element_type3A_105 : vector<1024x64xbf16> to vector<1024x64xf32>
    %sub3A_107 = arith.subf %get3A_71, %convert_element_type3A_106 : vector<1024x64xf32>
    %convert_element_type3A_108 = arith.truncf %sub3A_107 : vector<1024x64xf32> to vector<1024x64xbf16>
    %dot_general3A_109 = arith.constant dense<0.000000e+00> : vector<1024x64xf32>
    %dot_general3A_110 = tpu.matmul %convert_element_type3A_104, %convert_element_type3A_105, %dot_general3A_109 {dimension_numbers = #tpu.dot_dimension_numbers<[1], [0], [0], [1], [0, 0, 1, 1], [], []>, transpose_lhs_hint = false} : vector<1024x1024xbf16>, vector<1024x64xbf16>, vector<1024x64xf32> -> vector<1024x64xf32>
    %dot_general3A_111 = arith.constant dense<0.000000e+00> : vector<1024x64xf32>
    %dot_general3A_112 = tpu.matmul %convert_element_type3A_104, %convert_element_type3A_108, %dot_general3A_111 {dimension_numbers = #tpu.dot_dimension_numbers<[1], [0], [0], [1], [0, 0, 1, 1], [], []>, transpose_lhs_hint = false} : vector<1024x1024xbf16>, vector<1024x64xbf16>, vector<1024x64xf32> -> vector<1024x64xf32>
    %add3A_113 = arith.addf %dot_general3A_110, %dot_general3A_112 : vector<1024x64xf32>
    %lt3A_114 = arith.cmpf olt, %broadcast_in_dim3A_91, %select_n3A_61 : vector<1024x1xf32>
    %select_n3A_115 = arith.select %lt3A_114, %broadcast_in_dim3A_91, %select_n3A_61 : vector<1024x1xi1>, vector<1024x1xf32>
    %add3A_116 = arith.constant 1024 : i32
    %add3A_117 = vector.broadcast %add3A_116 : i32 to vector<1024x1xi32>
    %add3A_118 = arith.addi %broadcast_in_dim3A_99, %add3A_117 : vector<1024x1xi32>
    %select_n3A_119 = arith.select %lt3A_114, %add3A_118, %select_n3A_65 : vector<1024x1xi1>, vector<1024x1xi32>
    %broadcast_in_dim3A_120 = vector.shape_cast %lt3A_114 : vector<1024x1xi1> to vector<1024x1xi1>
    %broadcast_in_dim3A_121 = vector.broadcast %broadcast_in_dim3A_120 : vector<1024x1xi1> to vector<1024x64xi1>
    %select_n3A_122 = arith.select %broadcast_in_dim3A_121, %add3A_113, %select_n3A_68 : vector<1024x64xi1>, vector<1024x64xf32>
    %get3A_123 = arith.constant 2048 : index
    %get3A_124 = arith.constant 0 : index
    %get3A_125 = vector.load %arg4[%get3A_123, %get3A_124] : memref<8192x64xf32, #tpu.memory_space<vmem>>, vector<1024x64xf32>
    %mul3A_126 = arith.mulf %get3A_125, %get3A_125 : vector<1024x64xf32>
    %reduce_sum3A_127 = arith.constant dense<0.000000e+00> : vector<1024xf32>
    %reduce_sum3A_128 = vector.multi_reduction <add>, %mul3A_126, %reduce_sum3A_127 [1] : vector<1024x64xf32> to vector<1024xf32>
    %broadcast_in_dim3A_129 = vector.shape_cast %reduce_sum3A_128 : vector<1024xf32> to vector<1024x1xf32>
    %concatenate3A_130 = tpu.concatenate %get3A_125, %broadcast_in_dim3A_129 in 1 : vector<1024x64xf32>, vector<1024x1xf32> -> vector<1024x65xf32>
    %convert_element_type3A_131 = arith.truncf %concatenate3A_130 : vector<1024x65xf32> to vector<1024x65xbf16>
    %convert_element_type3A_132 = arith.extf %convert_element_type3A_131 : vector<1024x65xbf16> to vector<1024x65xf32>
    %sub3A_133 = arith.subf %concatenate3A_130, %convert_element_type3A_132 : vector<1024x65xf32>
    %convert_element_type3A_134 = arith.truncf %sub3A_133 : vector<1024x65xf32> to vector<1024x65xbf16>
    %dot_general3A_135 = arith.constant dense<0.000000e+00> : vector<1024x1024xf32>
    %dot_general3A_136 = tpu.matmul %convert_element_type3A, %convert_element_type3A_131, %dot_general3A_135 {dimension_numbers = #tpu.dot_dimension_numbers<[1], [1], [0], [0], [0, 0, 1, 0], [], []>, transpose_lhs_hint = false} : vector<1024x65xbf16>, vector<1024x65xbf16>, vector<1024x1024xf32> -> vector<1024x1024xf32>
    %dot_general3A_137 = arith.constant dense<0.000000e+00> : vector<1024x1024xf32>
    %dot_general3A_138 = tpu.matmul %convert_element_type3A, %convert_element_type3A_134, %dot_general3A_137 {dimension_numbers = #tpu.dot_dimension_numbers<[1], [1], [0], [0], [0, 0, 1, 0], [], []>, transpose_lhs_hint = false} : vector<1024x65xbf16>, vector<1024x65xbf16>, vector<1024x1024xf32> -> vector<1024x1024xf32>
    %add3A_139 = arith.addf %dot_general3A_136, %dot_general3A_138 : vector<1024x1024xf32>
    %dot_general3A_140 = arith.constant dense<0.000000e+00> : vector<1024x1024xf32>
    %dot_general3A_141 = tpu.matmul %convert_element_type3A_14, %convert_element_type3A_131, %dot_general3A_140 {dimension_numbers = #tpu.dot_dimension_numbers<[1], [1], [0], [0], [0, 0, 1, 0], [], []>, transpose_lhs_hint = false} : vector<1024x65xbf16>, vector<1024x65xbf16>, vector<1024x1024xf32> -> vector<1024x1024xf32>
    %add3A_142 = arith.addf %add3A_139, %dot_general3A_141 : vector<1024x1024xf32>
    %reduce_min3A_143 = arith.constant dense<0x7F800000> : vector<1024xf32>
    %reduce_min3A_144 = vector.multi_reduction <minimumf>, %add3A_142, %reduce_min3A_143 [1] : vector<1024x1024xf32> to vector<1024xf32>
    %broadcast_in_dim3A_145 = vector.shape_cast %reduce_min3A_144 : vector<1024xf32> to vector<1024x1xf32>
    %eq3A_146 = vector.broadcast %broadcast_in_dim3A_145 : vector<1024x1xf32> to vector<1024x1024xf32>
    %eq3A_147 = arith.cmpf oeq, %add3A_142, %eq3A_146 : vector<1024x1024xf32>
    %jit3A_148 = arith.constant 1073741824 : i32
    %broadcast_in_dim3A_149 = vector.broadcast %jit3A_148 : i32 to vector<1024x1024xi32>
    %select_n3A_150 = arith.select %eq3A_147, %iota3A, %broadcast_in_dim3A_149 : vector<1024x1024xi1>, vector<1024x1024xi32>
    %reduce_min3A_151 = arith.constant dense<2147483647> : vector<1024xi32>
    %reduce_min3A_152 = vector.multi_reduction <minsi>, %select_n3A_150, %reduce_min3A_151 [1] : vector<1024x1024xi32> to vector<1024xi32>
    %broadcast_in_dim3A_153 = vector.shape_cast %reduce_min3A_152 : vector<1024xi32> to vector<1024x1xi32>
    %eq3A_154 = vector.broadcast %broadcast_in_dim3A_153 : vector<1024x1xi32> to vector<1024x1024xi32>
    %eq3A_155 = arith.cmpi eq, %iota3A, %eq3A_154 : vector<1024x1024xi32>
    %convert_element_type3A_156 = arith.extui %eq3A_155 : vector<1024x1024xi1> to vector<1024x1024xi32>
    %convert_element_type3A_157 = arith.sitofp %convert_element_type3A_156 : vector<1024x1024xi32> to vector<1024x1024xf32>
    %convert_element_type3A_158 = arith.truncf %convert_element_type3A_157 : vector<1024x1024xf32> to vector<1024x1024xbf16>
    %convert_element_type3A_159 = arith.truncf %get3A_125 : vector<1024x64xf32> to vector<1024x64xbf16>
    %convert_element_type3A_160 = arith.extf %convert_element_type3A_159 : vector<1024x64xbf16> to vector<1024x64xf32>
    %sub3A_161 = arith.subf %get3A_125, %convert_element_type3A_160 : vector<1024x64xf32>
    %convert_element_type3A_162 = arith.truncf %sub3A_161 : vector<1024x64xf32> to vector<1024x64xbf16>
    %dot_general3A_163 = arith.constant dense<0.000000e+00> : vector<1024x64xf32>
    %dot_general3A_164 = tpu.matmul %convert_element_type3A_158, %convert_element_type3A_159, %dot_general3A_163 {dimension_numbers = #tpu.dot_dimension_numbers<[1], [0], [0], [1], [0, 0, 1, 1], [], []>, transpose_lhs_hint = false} : vector<1024x1024xbf16>, vector<1024x64xbf16>, vector<1024x64xf32> -> vector<1024x64xf32>
    %dot_general3A_165 = arith.constant dense<0.000000e+00> : vector<1024x64xf32>
    %dot_general3A_166 = tpu.matmul %convert_element_type3A_158, %convert_element_type3A_162, %dot_general3A_165 {dimension_numbers = #tpu.dot_dimension_numbers<[1], [0], [0], [1], [0, 0, 1, 1], [], []>, transpose_lhs_hint = false} : vector<1024x1024xbf16>, vector<1024x64xbf16>, vector<1024x64xf32> -> vector<1024x64xf32>
    %add3A_167 = arith.addf %dot_general3A_164, %dot_general3A_166 : vector<1024x64xf32>
    %lt3A_168 = arith.cmpf olt, %broadcast_in_dim3A_145, %select_n3A_115 : vector<1024x1xf32>
    %select_n3A_169 = arith.select %lt3A_168, %broadcast_in_dim3A_145, %select_n3A_115 : vector<1024x1xi1>, vector<1024x1xf32>
    %add3A_170 = arith.constant 2048 : i32
    %add3A_171 = vector.broadcast %add3A_170 : i32 to vector<1024x1xi32>
    %add3A_172 = arith.addi %broadcast_in_dim3A_153, %add3A_171 : vector<1024x1xi32>
    %select_n3A_173 = arith.select %lt3A_168, %add3A_172, %select_n3A_119 : vector<1024x1xi1>, vector<1024x1xi32>
    %broadcast_in_dim3A_174 = vector.shape_cast %lt3A_168 : vector<1024x1xi1> to vector<1024x1xi1>
    %broadcast_in_dim3A_175 = vector.broadcast %broadcast_in_dim3A_174 : vector<1024x1xi1> to vector<1024x64xi1>
    %select_n3A_176 = arith.select %broadcast_in_dim3A_175, %add3A_167, %select_n3A_122 : vector<1024x64xi1>, vector<1024x64xf32>
    %get3A_177 = arith.constant 3072 : index
    %get3A_178 = arith.constant 0 : index
    %get3A_179 = vector.load %arg4[%get3A_177, %get3A_178] : memref<8192x64xf32, #tpu.memory_space<vmem>>, vector<1024x64xf32>
    %mul3A_180 = arith.mulf %get3A_179, %get3A_179 : vector<1024x64xf32>
    %reduce_sum3A_181 = arith.constant dense<0.000000e+00> : vector<1024xf32>
    %reduce_sum3A_182 = vector.multi_reduction <add>, %mul3A_180, %reduce_sum3A_181 [1] : vector<1024x64xf32> to vector<1024xf32>
    %broadcast_in_dim3A_183 = vector.shape_cast %reduce_sum3A_182 : vector<1024xf32> to vector<1024x1xf32>
    %concatenate3A_184 = tpu.concatenate %get3A_179, %broadcast_in_dim3A_183 in 1 : vector<1024x64xf32>, vector<1024x1xf32> -> vector<1024x65xf32>
    %convert_element_type3A_185 = arith.truncf %concatenate3A_184 : vector<1024x65xf32> to vector<1024x65xbf16>
    %convert_element_type3A_186 = arith.extf %convert_element_type3A_185 : vector<1024x65xbf16> to vector<1024x65xf32>
    %sub3A_187 = arith.subf %concatenate3A_184, %convert_element_type3A_186 : vector<1024x65xf32>
    %convert_element_type3A_188 = arith.truncf %sub3A_187 : vector<1024x65xf32> to vector<1024x65xbf16>
    %dot_general3A_189 = arith.constant dense<0.000000e+00> : vector<1024x1024xf32>
    %dot_general3A_190 = tpu.matmul %convert_element_type3A, %convert_element_type3A_185, %dot_general3A_189 {dimension_numbers = #tpu.dot_dimension_numbers<[1], [1], [0], [0], [0, 0, 1, 0], [], []>, transpose_lhs_hint = false} : vector<1024x65xbf16>, vector<1024x65xbf16>, vector<1024x1024xf32> -> vector<1024x1024xf32>
    %dot_general3A_191 = arith.constant dense<0.000000e+00> : vector<1024x1024xf32>
    %dot_general3A_192 = tpu.matmul %convert_element_type3A, %convert_element_type3A_188, %dot_general3A_191 {dimension_numbers = #tpu.dot_dimension_numbers<[1], [1], [0], [0], [0, 0, 1, 0], [], []>, transpose_lhs_hint = false} : vector<1024x65xbf16>, vector<1024x65xbf16>, vector<1024x1024xf32> -> vector<1024x1024xf32>
    %add3A_193 = arith.addf %dot_general3A_190, %dot_general3A_192 : vector<1024x1024xf32>
    %dot_general3A_194 = arith.constant dense<0.000000e+00> : vector<1024x1024xf32>
    %dot_general3A_195 = tpu.matmul %convert_element_type3A_14, %convert_element_type3A_185, %dot_general3A_194 {dimension_numbers = #tpu.dot_dimension_numbers<[1], [1], [0], [0], [0, 0, 1, 0], [], []>, transpose_lhs_hint = false} : vector<1024x65xbf16>, vector<1024x65xbf16>, vector<1024x1024xf32> -> vector<1024x1024xf32>
    %add3A_196 = arith.addf %add3A_193, %dot_general3A_195 : vector<1024x1024xf32>
    %reduce_min3A_197 = arith.constant dense<0x7F800000> : vector<1024xf32>
    %reduce_min3A_198 = vector.multi_reduction <minimumf>, %add3A_196, %reduce_min3A_197 [1] : vector<1024x1024xf32> to vector<1024xf32>
    %broadcast_in_dim3A_199 = vector.shape_cast %reduce_min3A_198 : vector<1024xf32> to vector<1024x1xf32>
    %eq3A_200 = vector.broadcast %broadcast_in_dim3A_199 : vector<1024x1xf32> to vector<1024x1024xf32>
    %eq3A_201 = arith.cmpf oeq, %add3A_196, %eq3A_200 : vector<1024x1024xf32>
    %jit3A_202 = arith.constant 1073741824 : i32
    %broadcast_in_dim3A_203 = vector.broadcast %jit3A_202 : i32 to vector<1024x1024xi32>
    %select_n3A_204 = arith.select %eq3A_201, %iota3A, %broadcast_in_dim3A_203 : vector<1024x1024xi1>, vector<1024x1024xi32>
    %reduce_min3A_205 = arith.constant dense<2147483647> : vector<1024xi32>
    %reduce_min3A_206 = vector.multi_reduction <minsi>, %select_n3A_204, %reduce_min3A_205 [1] : vector<1024x1024xi32> to vector<1024xi32>
    %broadcast_in_dim3A_207 = vector.shape_cast %reduce_min3A_206 : vector<1024xi32> to vector<1024x1xi32>
    %eq3A_208 = vector.broadcast %broadcast_in_dim3A_207 : vector<1024x1xi32> to vector<1024x1024xi32>
    %eq3A_209 = arith.cmpi eq, %iota3A, %eq3A_208 : vector<1024x1024xi32>
    %convert_element_type3A_210 = arith.extui %eq3A_209 : vector<1024x1024xi1> to vector<1024x1024xi32>
    %convert_element_type3A_211 = arith.sitofp %convert_element_type3A_210 : vector<1024x1024xi32> to vector<1024x1024xf32>
    %convert_element_type3A_212 = arith.truncf %convert_element_type3A_211 : vector<1024x1024xf32> to vector<1024x1024xbf16>
    %convert_element_type3A_213 = arith.truncf %get3A_179 : vector<1024x64xf32> to vector<1024x64xbf16>
    %convert_element_type3A_214 = arith.extf %convert_element_type3A_213 : vector<1024x64xbf16> to vector<1024x64xf32>
    %sub3A_215 = arith.subf %get3A_179, %convert_element_type3A_214 : vector<1024x64xf32>
    %convert_element_type3A_216 = arith.truncf %sub3A_215 : vector<1024x64xf32> to vector<1024x64xbf16>
    %dot_general3A_217 = arith.constant dense<0.000000e+00> : vector<1024x64xf32>
    %dot_general3A_218 = tpu.matmul %convert_element_type3A_212, %convert_element_type3A_213, %dot_general3A_217 {dimension_numbers = #tpu.dot_dimension_numbers<[1], [0], [0], [1], [0, 0, 1, 1], [], []>, transpose_lhs_hint = false} : vector<1024x1024xbf16>, vector<1024x64xbf16>, vector<1024x64xf32> -> vector<1024x64xf32>
    %dot_general3A_219 = arith.constant dense<0.000000e+00> : vector<1024x64xf32>
    %dot_general3A_220 = tpu.matmul %convert_element_type3A_212, %convert_element_type3A_216, %dot_general3A_219 {dimension_numbers = #tpu.dot_dimension_numbers<[1], [0], [0], [1], [0, 0, 1, 1], [], []>, transpose_lhs_hint = false} : vector<1024x1024xbf16>, vector<1024x64xbf16>, vector<1024x64xf32> -> vector<1024x64xf32>
    %add3A_221 = arith.addf %dot_general3A_218, %dot_general3A_220 : vector<1024x64xf32>
    %lt3A_222 = arith.cmpf olt, %broadcast_in_dim3A_199, %select_n3A_169 : vector<1024x1xf32>
    %select_n3A_223 = arith.select %lt3A_222, %broadcast_in_dim3A_199, %select_n3A_169 : vector<1024x1xi1>, vector<1024x1xf32>
    %add3A_224 = arith.constant 3072 : i32
    %add3A_225 = vector.broadcast %add3A_224 : i32 to vector<1024x1xi32>
    %add3A_226 = arith.addi %broadcast_in_dim3A_207, %add3A_225 : vector<1024x1xi32>
    %select_n3A_227 = arith.select %lt3A_222, %add3A_226, %select_n3A_173 : vector<1024x1xi1>, vector<1024x1xi32>
    %broadcast_in_dim3A_228 = vector.shape_cast %lt3A_222 : vector<1024x1xi1> to vector<1024x1xi1>
    %broadcast_in_dim3A_229 = vector.broadcast %broadcast_in_dim3A_228 : vector<1024x1xi1> to vector<1024x64xi1>
    %select_n3A_230 = arith.select %broadcast_in_dim3A_229, %add3A_221, %select_n3A_176 : vector<1024x64xi1>, vector<1024x64xf32>
    %get3A_231 = arith.constant 4096 : index
    %get3A_232 = arith.constant 0 : index
    %get3A_233 = vector.load %arg4[%get3A_231, %get3A_232] : memref<8192x64xf32, #tpu.memory_space<vmem>>, vector<1024x64xf32>
    %mul3A_234 = arith.mulf %get3A_233, %get3A_233 : vector<1024x64xf32>
    %reduce_sum3A_235 = arith.constant dense<0.000000e+00> : vector<1024xf32>
    %reduce_sum3A_236 = vector.multi_reduction <add>, %mul3A_234, %reduce_sum3A_235 [1] : vector<1024x64xf32> to vector<1024xf32>
    %broadcast_in_dim3A_237 = vector.shape_cast %reduce_sum3A_236 : vector<1024xf32> to vector<1024x1xf32>
    %concatenate3A_238 = tpu.concatenate %get3A_233, %broadcast_in_dim3A_237 in 1 : vector<1024x64xf32>, vector<1024x1xf32> -> vector<1024x65xf32>
    %convert_element_type3A_239 = arith.truncf %concatenate3A_238 : vector<1024x65xf32> to vector<1024x65xbf16>
    %convert_element_type3A_240 = arith.extf %convert_element_type3A_239 : vector<1024x65xbf16> to vector<1024x65xf32>
    %sub3A_241 = arith.subf %concatenate3A_238, %convert_element_type3A_240 : vector<1024x65xf32>
    %convert_element_type3A_242 = arith.truncf %sub3A_241 : vector<1024x65xf32> to vector<1024x65xbf16>
    %dot_general3A_243 = arith.constant dense<0.000000e+00> : vector<1024x1024xf32>
    %dot_general3A_244 = tpu.matmul %convert_element_type3A, %convert_element_type3A_239, %dot_general3A_243 {dimension_numbers = #tpu.dot_dimension_numbers<[1], [1], [0], [0], [0, 0, 1, 0], [], []>, transpose_lhs_hint = false} : vector<1024x65xbf16>, vector<1024x65xbf16>, vector<1024x1024xf32> -> vector<1024x1024xf32>
    %dot_general3A_245 = arith.constant dense<0.000000e+00> : vector<1024x1024xf32>
    %dot_general3A_246 = tpu.matmul %convert_element_type3A, %convert_element_type3A_242, %dot_general3A_245 {dimension_numbers = #tpu.dot_dimension_numbers<[1], [1], [0], [0], [0, 0, 1, 0], [], []>, transpose_lhs_hint = false} : vector<1024x65xbf16>, vector<1024x65xbf16>, vector<1024x1024xf32> -> vector<1024x1024xf32>
    %add3A_247 = arith.addf %dot_general3A_244, %dot_general3A_246 : vector<1024x1024xf32>
    %dot_general3A_248 = arith.constant dense<0.000000e+00> : vector<1024x1024xf32>
    %dot_general3A_249 = tpu.matmul %convert_element_type3A_14, %convert_element_type3A_239, %dot_general3A_248 {dimension_numbers = #tpu.dot_dimension_numbers<[1], [1], [0], [0], [0, 0, 1, 0], [], []>, transpose_lhs_hint = false} : vector<1024x65xbf16>, vector<1024x65xbf16>, vector<1024x1024xf32> -> vector<1024x1024xf32>
    %add3A_250 = arith.addf %add3A_247, %dot_general3A_249 : vector<1024x1024xf32>
    %reduce_min3A_251 = arith.constant dense<0x7F800000> : vector<1024xf32>
    %reduce_min3A_252 = vector.multi_reduction <minimumf>, %add3A_250, %reduce_min3A_251 [1] : vector<1024x1024xf32> to vector<1024xf32>
    %broadcast_in_dim3A_253 = vector.shape_cast %reduce_min3A_252 : vector<1024xf32> to vector<1024x1xf32>
    %eq3A_254 = vector.broadcast %broadcast_in_dim3A_253 : vector<1024x1xf32> to vector<1024x1024xf32>
    %eq3A_255 = arith.cmpf oeq, %add3A_250, %eq3A_254 : vector<1024x1024xf32>
    %jit3A_256 = arith.constant 1073741824 : i32
    %broadcast_in_dim3A_257 = vector.broadcast %jit3A_256 : i32 to vector<1024x1024xi32>
    %select_n3A_258 = arith.select %eq3A_255, %iota3A, %broadcast_in_dim3A_257 : vector<1024x1024xi1>, vector<1024x1024xi32>
    %reduce_min3A_259 = arith.constant dense<2147483647> : vector<1024xi32>
    %reduce_min3A_260 = vector.multi_reduction <minsi>, %select_n3A_258, %reduce_min3A_259 [1] : vector<1024x1024xi32> to vector<1024xi32>
    %broadcast_in_dim3A_261 = vector.shape_cast %reduce_min3A_260 : vector<1024xi32> to vector<1024x1xi32>
    %eq3A_262 = vector.broadcast %broadcast_in_dim3A_261 : vector<1024x1xi32> to vector<1024x1024xi32>
    %eq3A_263 = arith.cmpi eq, %iota3A, %eq3A_262 : vector<1024x1024xi32>
    %convert_element_type3A_264 = arith.extui %eq3A_263 : vector<1024x1024xi1> to vector<1024x1024xi32>
    %convert_element_type3A_265 = arith.sitofp %convert_element_type3A_264 : vector<1024x1024xi32> to vector<1024x1024xf32>
    %convert_element_type3A_266 = arith.truncf %convert_element_type3A_265 : vector<1024x1024xf32> to vector<1024x1024xbf16>
    %convert_element_type3A_267 = arith.truncf %get3A_233 : vector<1024x64xf32> to vector<1024x64xbf16>
    %convert_element_type3A_268 = arith.extf %convert_element_type3A_267 : vector<1024x64xbf16> to vector<1024x64xf32>
    %sub3A_269 = arith.subf %get3A_233, %convert_element_type3A_268 : vector<1024x64xf32>
    %convert_element_type3A_270 = arith.truncf %sub3A_269 : vector<1024x64xf32> to vector<1024x64xbf16>
    %dot_general3A_271 = arith.constant dense<0.000000e+00> : vector<1024x64xf32>
    %dot_general3A_272 = tpu.matmul %convert_element_type3A_266, %convert_element_type3A_267, %dot_general3A_271 {dimension_numbers = #tpu.dot_dimension_numbers<[1], [0], [0], [1], [0, 0, 1, 1], [], []>, transpose_lhs_hint = false} : vector<1024x1024xbf16>, vector<1024x64xbf16>, vector<1024x64xf32> -> vector<1024x64xf32>
    %dot_general3A_273 = arith.constant dense<0.000000e+00> : vector<1024x64xf32>
    %dot_general3A_274 = tpu.matmul %convert_element_type3A_266, %convert_element_type3A_270, %dot_general3A_273 {dimension_numbers = #tpu.dot_dimension_numbers<[1], [0], [0], [1], [0, 0, 1, 1], [], []>, transpose_lhs_hint = false} : vector<1024x1024xbf16>, vector<1024x64xbf16>, vector<1024x64xf32> -> vector<1024x64xf32>
    %add3A_275 = arith.addf %dot_general3A_272, %dot_general3A_274 : vector<1024x64xf32>
    %lt3A_276 = arith.cmpf olt, %broadcast_in_dim3A_253, %select_n3A_223 : vector<1024x1xf32>
    %select_n3A_277 = arith.select %lt3A_276, %broadcast_in_dim3A_253, %select_n3A_223 : vector<1024x1xi1>, vector<1024x1xf32>
    %add3A_278 = arith.constant 4096 : i32
    %add3A_279 = vector.broadcast %add3A_278 : i32 to vector<1024x1xi32>
    %add3A_280 = arith.addi %broadcast_in_dim3A_261, %add3A_279 : vector<1024x1xi32>
    %select_n3A_281 = arith.select %lt3A_276, %add3A_280, %select_n3A_227 : vector<1024x1xi1>, vector<1024x1xi32>
    %broadcast_in_dim3A_282 = vector.shape_cast %lt3A_276 : vector<1024x1xi1> to vector<1024x1xi1>
    %broadcast_in_dim3A_283 = vector.broadcast %broadcast_in_dim3A_282 : vector<1024x1xi1> to vector<1024x64xi1>
    %select_n3A_284 = arith.select %broadcast_in_dim3A_283, %add3A_275, %select_n3A_230 : vector<1024x64xi1>, vector<1024x64xf32>
    %get3A_285 = arith.constant 5120 : index
    %get3A_286 = arith.constant 0 : index
    %get3A_287 = vector.load %arg4[%get3A_285, %get3A_286] : memref<8192x64xf32, #tpu.memory_space<vmem>>, vector<1024x64xf32>
    %mul3A_288 = arith.mulf %get3A_287, %get3A_287 : vector<1024x64xf32>
    %reduce_sum3A_289 = arith.constant dense<0.000000e+00> : vector<1024xf32>
    %reduce_sum3A_290 = vector.multi_reduction <add>, %mul3A_288, %reduce_sum3A_289 [1] : vector<1024x64xf32> to vector<1024xf32>
    %broadcast_in_dim3A_291 = vector.shape_cast %reduce_sum3A_290 : vector<1024xf32> to vector<1024x1xf32>
    %concatenate3A_292 = tpu.concatenate %get3A_287, %broadcast_in_dim3A_291 in 1 : vector<1024x64xf32>, vector<1024x1xf32> -> vector<1024x65xf32>
    %convert_element_type3A_293 = arith.truncf %concatenate3A_292 : vector<1024x65xf32> to vector<1024x65xbf16>
    %convert_element_type3A_294 = arith.extf %convert_element_type3A_293 : vector<1024x65xbf16> to vector<1024x65xf32>
    %sub3A_295 = arith.subf %concatenate3A_292, %convert_element_type3A_294 : vector<1024x65xf32>
    %convert_element_type3A_296 = arith.truncf %sub3A_295 : vector<1024x65xf32> to vector<1024x65xbf16>
    %dot_general3A_297 = arith.constant dense<0.000000e+00> : vector<1024x1024xf32>
    %dot_general3A_298 = tpu.matmul %convert_element_type3A, %convert_element_type3A_293, %dot_general3A_297 {dimension_numbers = #tpu.dot_dimension_numbers<[1], [1], [0], [0], [0, 0, 1, 0], [], []>, transpose_lhs_hint = false} : vector<1024x65xbf16>, vector<1024x65xbf16>, vector<1024x1024xf32> -> vector<1024x1024xf32>
    %dot_general3A_299 = arith.constant dense<0.000000e+00> : vector<1024x1024xf32>
    %dot_general3A_300 = tpu.matmul %convert_element_type3A, %convert_element_type3A_296, %dot_general3A_299 {dimension_numbers = #tpu.dot_dimension_numbers<[1], [1], [0], [0], [0, 0, 1, 0], [], []>, transpose_lhs_hint = false} : vector<1024x65xbf16>, vector<1024x65xbf16>, vector<1024x1024xf32> -> vector<1024x1024xf32>
    %add3A_301 = arith.addf %dot_general3A_298, %dot_general3A_300 : vector<1024x1024xf32>
    %dot_general3A_302 = arith.constant dense<0.000000e+00> : vector<1024x1024xf32>
    %dot_general3A_303 = tpu.matmul %convert_element_type3A_14, %convert_element_type3A_293, %dot_general3A_302 {dimension_numbers = #tpu.dot_dimension_numbers<[1], [1], [0], [0], [0, 0, 1, 0], [], []>, transpose_lhs_hint = false} : vector<1024x65xbf16>, vector<1024x65xbf16>, vector<1024x1024xf32> -> vector<1024x1024xf32>
    %add3A_304 = arith.addf %add3A_301, %dot_general3A_303 : vector<1024x1024xf32>
    %reduce_min3A_305 = arith.constant dense<0x7F800000> : vector<1024xf32>
    %reduce_min3A_306 = vector.multi_reduction <minimumf>, %add3A_304, %reduce_min3A_305 [1] : vector<1024x1024xf32> to vector<1024xf32>
    %broadcast_in_dim3A_307 = vector.shape_cast %reduce_min3A_306 : vector<1024xf32> to vector<1024x1xf32>
    %eq3A_308 = vector.broadcast %broadcast_in_dim3A_307 : vector<1024x1xf32> to vector<1024x1024xf32>
    %eq3A_309 = arith.cmpf oeq, %add3A_304, %eq3A_308 : vector<1024x1024xf32>
    %jit3A_310 = arith.constant 1073741824 : i32
    %broadcast_in_dim3A_311 = vector.broadcast %jit3A_310 : i32 to vector<1024x1024xi32>
    %select_n3A_312 = arith.select %eq3A_309, %iota3A, %broadcast_in_dim3A_311 : vector<1024x1024xi1>, vector<1024x1024xi32>
    %reduce_min3A_313 = arith.constant dense<2147483647> : vector<1024xi32>
    %reduce_min3A_314 = vector.multi_reduction <minsi>, %select_n3A_312, %reduce_min3A_313 [1] : vector<1024x1024xi32> to vector<1024xi32>
    %broadcast_in_dim3A_315 = vector.shape_cast %reduce_min3A_314 : vector<1024xi32> to vector<1024x1xi32>
    %eq3A_316 = vector.broadcast %broadcast_in_dim3A_315 : vector<1024x1xi32> to vector<1024x1024xi32>
    %eq3A_317 = arith.cmpi eq, %iota3A, %eq3A_316 : vector<1024x1024xi32>
    %convert_element_type3A_318 = arith.extui %eq3A_317 : vector<1024x1024xi1> to vector<1024x1024xi32>
    %convert_element_type3A_319 = arith.sitofp %convert_element_type3A_318 : vector<1024x1024xi32> to vector<1024x1024xf32>
    %convert_element_type3A_320 = arith.truncf %convert_element_type3A_319 : vector<1024x1024xf32> to vector<1024x1024xbf16>
    %convert_element_type3A_321 = arith.truncf %get3A_287 : vector<1024x64xf32> to vector<1024x64xbf16>
    %convert_element_type3A_322 = arith.extf %convert_element_type3A_321 : vector<1024x64xbf16> to vector<1024x64xf32>
    %sub3A_323 = arith.subf %get3A_287, %convert_element_type3A_322 : vector<1024x64xf32>
    %convert_element_type3A_324 = arith.truncf %sub3A_323 : vector<1024x64xf32> to vector<1024x64xbf16>
    %dot_general3A_325 = arith.constant dense<0.000000e+00> : vector<1024x64xf32>
    %dot_general3A_326 = tpu.matmul %convert_element_type3A_320, %convert_element_type3A_321, %dot_general3A_325 {dimension_numbers = #tpu.dot_dimension_numbers<[1], [0], [0], [1], [0, 0, 1, 1], [], []>, transpose_lhs_hint = false} : vector<1024x1024xbf16>, vector<1024x64xbf16>, vector<1024x64xf32> -> vector<1024x64xf32>
    %dot_general3A_327 = arith.constant dense<0.000000e+00> : vector<1024x64xf32>
    %dot_general3A_328 = tpu.matmul %convert_element_type3A_320, %convert_element_type3A_324, %dot_general3A_327 {dimension_numbers = #tpu.dot_dimension_numbers<[1], [0], [0], [1], [0, 0, 1, 1], [], []>, transpose_lhs_hint = false} : vector<1024x1024xbf16>, vector<1024x64xbf16>, vector<1024x64xf32> -> vector<1024x64xf32>
    %add3A_329 = arith.addf %dot_general3A_326, %dot_general3A_328 : vector<1024x64xf32>
    %lt3A_330 = arith.cmpf olt, %broadcast_in_dim3A_307, %select_n3A_277 : vector<1024x1xf32>
    %select_n3A_331 = arith.select %lt3A_330, %broadcast_in_dim3A_307, %select_n3A_277 : vector<1024x1xi1>, vector<1024x1xf32>
    %add3A_332 = arith.constant 5120 : i32
    %add3A_333 = vector.broadcast %add3A_332 : i32 to vector<1024x1xi32>
    %add3A_334 = arith.addi %broadcast_in_dim3A_315, %add3A_333 : vector<1024x1xi32>
    %select_n3A_335 = arith.select %lt3A_330, %add3A_334, %select_n3A_281 : vector<1024x1xi1>, vector<1024x1xi32>
    %broadcast_in_dim3A_336 = vector.shape_cast %lt3A_330 : vector<1024x1xi1> to vector<1024x1xi1>
    %broadcast_in_dim3A_337 = vector.broadcast %broadcast_in_dim3A_336 : vector<1024x1xi1> to vector<1024x64xi1>
    %select_n3A_338 = arith.select %broadcast_in_dim3A_337, %add3A_329, %select_n3A_284 : vector<1024x64xi1>, vector<1024x64xf32>
    %get3A_339 = arith.constant 6144 : index
    %get3A_340 = arith.constant 0 : index
    %get3A_341 = vector.load %arg4[%get3A_339, %get3A_340] : memref<8192x64xf32, #tpu.memory_space<vmem>>, vector<1024x64xf32>
    %mul3A_342 = arith.mulf %get3A_341, %get3A_341 : vector<1024x64xf32>
    %reduce_sum3A_343 = arith.constant dense<0.000000e+00> : vector<1024xf32>
    %reduce_sum3A_344 = vector.multi_reduction <add>, %mul3A_342, %reduce_sum3A_343 [1] : vector<1024x64xf32> to vector<1024xf32>
    %broadcast_in_dim3A_345 = vector.shape_cast %reduce_sum3A_344 : vector<1024xf32> to vector<1024x1xf32>
    %concatenate3A_346 = tpu.concatenate %get3A_341, %broadcast_in_dim3A_345 in 1 : vector<1024x64xf32>, vector<1024x1xf32> -> vector<1024x65xf32>
    %convert_element_type3A_347 = arith.truncf %concatenate3A_346 : vector<1024x65xf32> to vector<1024x65xbf16>
    %convert_element_type3A_348 = arith.extf %convert_element_type3A_347 : vector<1024x65xbf16> to vector<1024x65xf32>
    %sub3A_349 = arith.subf %concatenate3A_346, %convert_element_type3A_348 : vector<1024x65xf32>
    %convert_element_type3A_350 = arith.truncf %sub3A_349 : vector<1024x65xf32> to vector<1024x65xbf16>
    %dot_general3A_351 = arith.constant dense<0.000000e+00> : vector<1024x1024xf32>
    %dot_general3A_352 = tpu.matmul %convert_element_type3A, %convert_element_type3A_347, %dot_general3A_351 {dimension_numbers = #tpu.dot_dimension_numbers<[1], [1], [0], [0], [0, 0, 1, 0], [], []>, transpose_lhs_hint = false} : vector<1024x65xbf16>, vector<1024x65xbf16>, vector<1024x1024xf32> -> vector<1024x1024xf32>
    %dot_general3A_353 = arith.constant dense<0.000000e+00> : vector<1024x1024xf32>
    %dot_general3A_354 = tpu.matmul %convert_element_type3A, %convert_element_type3A_350, %dot_general3A_353 {dimension_numbers = #tpu.dot_dimension_numbers<[1], [1], [0], [0], [0, 0, 1, 0], [], []>, transpose_lhs_hint = false} : vector<1024x65xbf16>, vector<1024x65xbf16>, vector<1024x1024xf32> -> vector<1024x1024xf32>
    %add3A_355 = arith.addf %dot_general3A_352, %dot_general3A_354 : vector<1024x1024xf32>
    %dot_general3A_356 = arith.constant dense<0.000000e+00> : vector<1024x1024xf32>
    %dot_general3A_357 = tpu.matmul %convert_element_type3A_14, %convert_element_type3A_347, %dot_general3A_356 {dimension_numbers = #tpu.dot_dimension_numbers<[1], [1], [0], [0], [0, 0, 1, 0], [], []>, transpose_lhs_hint = false} : vector<1024x65xbf16>, vector<1024x65xbf16>, vector<1024x1024xf32> -> vector<1024x1024xf32>
    %add3A_358 = arith.addf %add3A_355, %dot_general3A_357 : vector<1024x1024xf32>
    %reduce_min3A_359 = arith.constant dense<0x7F800000> : vector<1024xf32>
    %reduce_min3A_360 = vector.multi_reduction <minimumf>, %add3A_358, %reduce_min3A_359 [1] : vector<1024x1024xf32> to vector<1024xf32>
    %broadcast_in_dim3A_361 = vector.shape_cast %reduce_min3A_360 : vector<1024xf32> to vector<1024x1xf32>
    %eq3A_362 = vector.broadcast %broadcast_in_dim3A_361 : vector<1024x1xf32> to vector<1024x1024xf32>
    %eq3A_363 = arith.cmpf oeq, %add3A_358, %eq3A_362 : vector<1024x1024xf32>
    %jit3A_364 = arith.constant 1073741824 : i32
    %broadcast_in_dim3A_365 = vector.broadcast %jit3A_364 : i32 to vector<1024x1024xi32>
    %select_n3A_366 = arith.select %eq3A_363, %iota3A, %broadcast_in_dim3A_365 : vector<1024x1024xi1>, vector<1024x1024xi32>
    %reduce_min3A_367 = arith.constant dense<2147483647> : vector<1024xi32>
    %reduce_min3A_368 = vector.multi_reduction <minsi>, %select_n3A_366, %reduce_min3A_367 [1] : vector<1024x1024xi32> to vector<1024xi32>
    %broadcast_in_dim3A_369 = vector.shape_cast %reduce_min3A_368 : vector<1024xi32> to vector<1024x1xi32>
    %eq3A_370 = vector.broadcast %broadcast_in_dim3A_369 : vector<1024x1xi32> to vector<1024x1024xi32>
    %eq3A_371 = arith.cmpi eq, %iota3A, %eq3A_370 : vector<1024x1024xi32>
    %convert_element_type3A_372 = arith.extui %eq3A_371 : vector<1024x1024xi1> to vector<1024x1024xi32>
    %convert_element_type3A_373 = arith.sitofp %convert_element_type3A_372 : vector<1024x1024xi32> to vector<1024x1024xf32>
    %convert_element_type3A_374 = arith.truncf %convert_element_type3A_373 : vector<1024x1024xf32> to vector<1024x1024xbf16>
    %convert_element_type3A_375 = arith.truncf %get3A_341 : vector<1024x64xf32> to vector<1024x64xbf16>
    %convert_element_type3A_376 = arith.extf %convert_element_type3A_375 : vector<1024x64xbf16> to vector<1024x64xf32>
    %sub3A_377 = arith.subf %get3A_341, %convert_element_type3A_376 : vector<1024x64xf32>
    %convert_element_type3A_378 = arith.truncf %sub3A_377 : vector<1024x64xf32> to vector<1024x64xbf16>
    %dot_general3A_379 = arith.constant dense<0.000000e+00> : vector<1024x64xf32>
    %dot_general3A_380 = tpu.matmul %convert_element_type3A_374, %convert_element_type3A_375, %dot_general3A_379 {dimension_numbers = #tpu.dot_dimension_numbers<[1], [0], [0], [1], [0, 0, 1, 1], [], []>, transpose_lhs_hint = false} : vector<1024x1024xbf16>, vector<1024x64xbf16>, vector<1024x64xf32> -> vector<1024x64xf32>
    %dot_general3A_381 = arith.constant dense<0.000000e+00> : vector<1024x64xf32>
    %dot_general3A_382 = tpu.matmul %convert_element_type3A_374, %convert_element_type3A_378, %dot_general3A_381 {dimension_numbers = #tpu.dot_dimension_numbers<[1], [0], [0], [1], [0, 0, 1, 1], [], []>, transpose_lhs_hint = false} : vector<1024x1024xbf16>, vector<1024x64xbf16>, vector<1024x64xf32> -> vector<1024x64xf32>
    %add3A_383 = arith.addf %dot_general3A_380, %dot_general3A_382 : vector<1024x64xf32>
    %lt3A_384 = arith.cmpf olt, %broadcast_in_dim3A_361, %select_n3A_331 : vector<1024x1xf32>
    %select_n3A_385 = arith.select %lt3A_384, %broadcast_in_dim3A_361, %select_n3A_331 : vector<1024x1xi1>, vector<1024x1xf32>
    %add3A_386 = arith.constant 6144 : i32
    %add3A_387 = vector.broadcast %add3A_386 : i32 to vector<1024x1xi32>
    %add3A_388 = arith.addi %broadcast_in_dim3A_369, %add3A_387 : vector<1024x1xi32>
    %select_n3A_389 = arith.select %lt3A_384, %add3A_388, %select_n3A_335 : vector<1024x1xi1>, vector<1024x1xi32>
    %broadcast_in_dim3A_390 = vector.shape_cast %lt3A_384 : vector<1024x1xi1> to vector<1024x1xi1>
    %broadcast_in_dim3A_391 = vector.broadcast %broadcast_in_dim3A_390 : vector<1024x1xi1> to vector<1024x64xi1>
    %select_n3A_392 = arith.select %broadcast_in_dim3A_391, %add3A_383, %select_n3A_338 : vector<1024x64xi1>, vector<1024x64xf32>
    %get3A_393 = arith.constant 7168 : index
    %get3A_394 = arith.constant 0 : index
    %get3A_395 = vector.load %arg4[%get3A_393, %get3A_394] : memref<8192x64xf32, #tpu.memory_space<vmem>>, vector<1024x64xf32>
    %mul3A_396 = arith.mulf %get3A_395, %get3A_395 : vector<1024x64xf32>
    %reduce_sum3A_397 = arith.constant dense<0.000000e+00> : vector<1024xf32>
    %reduce_sum3A_398 = vector.multi_reduction <add>, %mul3A_396, %reduce_sum3A_397 [1] : vector<1024x64xf32> to vector<1024xf32>
    %broadcast_in_dim3A_399 = vector.shape_cast %reduce_sum3A_398 : vector<1024xf32> to vector<1024x1xf32>
    %concatenate3A_400 = tpu.concatenate %get3A_395, %broadcast_in_dim3A_399 in 1 : vector<1024x64xf32>, vector<1024x1xf32> -> vector<1024x65xf32>
    %convert_element_type3A_401 = arith.truncf %concatenate3A_400 : vector<1024x65xf32> to vector<1024x65xbf16>
    %convert_element_type3A_402 = arith.extf %convert_element_type3A_401 : vector<1024x65xbf16> to vector<1024x65xf32>
    %sub3A_403 = arith.subf %concatenate3A_400, %convert_element_type3A_402 : vector<1024x65xf32>
    %convert_element_type3A_404 = arith.truncf %sub3A_403 : vector<1024x65xf32> to vector<1024x65xbf16>
    %dot_general3A_405 = arith.constant dense<0.000000e+00> : vector<1024x1024xf32>
    %dot_general3A_406 = tpu.matmul %convert_element_type3A, %convert_element_type3A_401, %dot_general3A_405 {dimension_numbers = #tpu.dot_dimension_numbers<[1], [1], [0], [0], [0, 0, 1, 0], [], []>, transpose_lhs_hint = false} : vector<1024x65xbf16>, vector<1024x65xbf16>, vector<1024x1024xf32> -> vector<1024x1024xf32>
    %dot_general3A_407 = arith.constant dense<0.000000e+00> : vector<1024x1024xf32>
    %dot_general3A_408 = tpu.matmul %convert_element_type3A, %convert_element_type3A_404, %dot_general3A_407 {dimension_numbers = #tpu.dot_dimension_numbers<[1], [1], [0], [0], [0, 0, 1, 0], [], []>, transpose_lhs_hint = false} : vector<1024x65xbf16>, vector<1024x65xbf16>, vector<1024x1024xf32> -> vector<1024x1024xf32>
    %add3A_409 = arith.addf %dot_general3A_406, %dot_general3A_408 : vector<1024x1024xf32>
    %dot_general3A_410 = arith.constant dense<0.000000e+00> : vector<1024x1024xf32>
    %dot_general3A_411 = tpu.matmul %convert_element_type3A_14, %convert_element_type3A_401, %dot_general3A_410 {dimension_numbers = #tpu.dot_dimension_numbers<[1], [1], [0], [0], [0, 0, 1, 0], [], []>, transpose_lhs_hint = false} : vector<1024x65xbf16>, vector<1024x65xbf16>, vector<1024x1024xf32> -> vector<1024x1024xf32>
    %add3A_412 = arith.addf %add3A_409, %dot_general3A_411 : vector<1024x1024xf32>
    %reduce_min3A_413 = arith.constant dense<0x7F800000> : vector<1024xf32>
    %reduce_min3A_414 = vector.multi_reduction <minimumf>, %add3A_412, %reduce_min3A_413 [1] : vector<1024x1024xf32> to vector<1024xf32>
    %broadcast_in_dim3A_415 = vector.shape_cast %reduce_min3A_414 : vector<1024xf32> to vector<1024x1xf32>
    %eq3A_416 = vector.broadcast %broadcast_in_dim3A_415 : vector<1024x1xf32> to vector<1024x1024xf32>
    %eq3A_417 = arith.cmpf oeq, %add3A_412, %eq3A_416 : vector<1024x1024xf32>
    %jit3A_418 = arith.constant 1073741824 : i32
    %broadcast_in_dim3A_419 = vector.broadcast %jit3A_418 : i32 to vector<1024x1024xi32>
    %select_n3A_420 = arith.select %eq3A_417, %iota3A, %broadcast_in_dim3A_419 : vector<1024x1024xi1>, vector<1024x1024xi32>
    %reduce_min3A_421 = arith.constant dense<2147483647> : vector<1024xi32>
    %reduce_min3A_422 = vector.multi_reduction <minsi>, %select_n3A_420, %reduce_min3A_421 [1] : vector<1024x1024xi32> to vector<1024xi32>
    %broadcast_in_dim3A_423 = vector.shape_cast %reduce_min3A_422 : vector<1024xi32> to vector<1024x1xi32>
    %eq3A_424 = vector.broadcast %broadcast_in_dim3A_423 : vector<1024x1xi32> to vector<1024x1024xi32>
    %eq3A_425 = arith.cmpi eq, %iota3A, %eq3A_424 : vector<1024x1024xi32>
    %convert_element_type3A_426 = arith.extui %eq3A_425 : vector<1024x1024xi1> to vector<1024x1024xi32>
    %convert_element_type3A_427 = arith.sitofp %convert_element_type3A_426 : vector<1024x1024xi32> to vector<1024x1024xf32>
    %convert_element_type3A_428 = arith.truncf %convert_element_type3A_427 : vector<1024x1024xf32> to vector<1024x1024xbf16>
    %convert_element_type3A_429 = arith.truncf %get3A_395 : vector<1024x64xf32> to vector<1024x64xbf16>
    %convert_element_type3A_430 = arith.extf %convert_element_type3A_429 : vector<1024x64xbf16> to vector<1024x64xf32>
    %sub3A_431 = arith.subf %get3A_395, %convert_element_type3A_430 : vector<1024x64xf32>
    %convert_element_type3A_432 = arith.truncf %sub3A_431 : vector<1024x64xf32> to vector<1024x64xbf16>
    %dot_general3A_433 = arith.constant dense<0.000000e+00> : vector<1024x64xf32>
    %dot_general3A_434 = tpu.matmul %convert_element_type3A_428, %convert_element_type3A_429, %dot_general3A_433 {dimension_numbers = #tpu.dot_dimension_numbers<[1], [0], [0], [1], [0, 0, 1, 1], [], []>, transpose_lhs_hint = false} : vector<1024x1024xbf16>, vector<1024x64xbf16>, vector<1024x64xf32> -> vector<1024x64xf32>
    %dot_general3A_435 = arith.constant dense<0.000000e+00> : vector<1024x64xf32>
    %dot_general3A_436 = tpu.matmul %convert_element_type3A_428, %convert_element_type3A_432, %dot_general3A_435 {dimension_numbers = #tpu.dot_dimension_numbers<[1], [0], [0], [1], [0, 0, 1, 1], [], []>, transpose_lhs_hint = false} : vector<1024x1024xbf16>, vector<1024x64xbf16>, vector<1024x64xf32> -> vector<1024x64xf32>
    %add3A_437 = arith.addf %dot_general3A_434, %dot_general3A_436 : vector<1024x64xf32>
    %lt3A_438 = arith.cmpf olt, %broadcast_in_dim3A_415, %select_n3A_385 : vector<1024x1xf32>
    %add3A_439 = arith.constant 7168 : i32
    %add3A_440 = vector.broadcast %add3A_439 : i32 to vector<1024x1xi32>
    %add3A_441 = arith.addi %broadcast_in_dim3A_423, %add3A_440 : vector<1024x1xi32>
    %select_n3A_442 = arith.select %lt3A_438, %add3A_441, %select_n3A_389 : vector<1024x1xi1>, vector<1024x1xi32>
    %broadcast_in_dim3A_443 = vector.shape_cast %lt3A_438 : vector<1024x1xi1> to vector<1024x1xi1>
    %broadcast_in_dim3A_444 = vector.broadcast %broadcast_in_dim3A_443 : vector<1024x1xi1> to vector<1024x64xi1>
    %select_n3A_445 = arith.select %broadcast_in_dim3A_444, %add3A_437, %select_n3A_392 : vector<1024x64xi1>, vector<1024x64xf32>
    %swap3A = arith.constant 0 : index
    %swap3A_446 = arith.constant 0 : index
    %swap3A_447 = vector.load %arg5[%swap3A, %swap3A_446] : memref<1024x64xf32, #tpu.memory_space<vmem>>, vector<1024x64xf32>
    tpu.vector_store %arg5[%swap3A, %swap3A_446], %add3A_9 {strides = array<i32>} : memref<1024x64xf32, #tpu.memory_space<vmem>>, vector<1024x64xf32>,
    %sub3A_448 = arith.subf %select_n3A_445, %add3A_9 : vector<1024x64xf32>
    %add3A_449 = arith.addf %add3A_9, %sub3A_448 : vector<1024x64xf32>
    %swap3A_450 = arith.constant 0 : index
    %swap3A_451 = arith.constant 0 : index
    %swap3A_452 = vector.load %arg6[%swap3A_450, %swap3A_451] : memref<1024x64xf32, #tpu.memory_space<vmem>>, vector<1024x64xf32>
    tpu.vector_store %arg6[%swap3A_450, %swap3A_451], %add3A_449 {strides = array<i32>} : memref<1024x64xf32, #tpu.memory_space<vmem>>, vector<1024x64xf32>,
    %swap3A_453 = arith.constant 0 : index
    %swap3A_454 = arith.constant 0 : index
    %swap3A_455 = vector.load %arg7[%swap3A_453, %swap3A_454] : memref<1024x1xi32, #tpu.memory_space<vmem>>, vector<1024x1xi32>
    tpu.vector_store %arg7[%swap3A_453, %swap3A_454], %select_n3A_442 {strides = array<i32>} : memref<1024x1xi32, #tpu.memory_space<vmem>>, vector<1024x1xi32>,
    %mul3A_456 = arith.constant 1024 : i32
    %mul3A_457 = arith.muli %arg0, %mul3A_456 : i32
    %iota3A_458 = tpu.iota {dimensions = array<i32: 0>} : vector<1024x1xi32>
    %add3A_459 = vector.broadcast %mul3A_457 : i32 to vector<1024x1xi32>
    %add3A_460 = arith.addi %add3A_459, %iota3A_458 : vector<1024x1xi32>
    %lt3A_461 = arith.constant 10000 : i32
    %lt3A_462 = vector.broadcast %lt3A_461 : i32 to vector<1024x1xi32>
    %lt3A_463 = arith.cmpi slt, %add3A_460, %lt3A_462 : vector<1024x1xi32>
    %convert_element_type3A_464 = arith.extui %lt3A_463 : vector<1024x1xi1> to vector<1024x1xi32>
    %convert_element_type3A_465 = arith.sitofp %convert_element_type3A_464 : vector<1024x1xi32> to vector<1024x1xf32>
    %sub3A_466 = arith.subf %add3A_9, %select_n3A_445 : vector<1024x64xf32>
    %integer_pow3A = arith.mulf %sub3A_466, %sub3A_466 : vector<1024x64xf32>
    %mul3A_467 = vector.broadcast %convert_element_type3A_465 : vector<1024x1xf32> to vector<1024x64xf32>
    %mul3A_468 = arith.mulf %integer_pow3A, %mul3A_467 : vector<1024x64xf32>
    %reduce_sum3A_469 = vector.shape_cast %mul3A_468 : vector<1024x64xf32> to vector<1x1024x64xf32>
    %reduce_sum3A_470 = arith.constant dense<0.000000e+00> : vector<1xf32>
    %reduce_sum3A_471 = vector.multi_reduction <add>, %reduce_sum3A_469, %reduce_sum3A_470 [1, 2] : vector<1x1024x64xf32> to vector<1xf32>
    %reduce_sum3A_472 = vector.shape_cast %reduce_sum3A_471 : vector<1xf32> to vector<1x1x1xf32>
    %reduce_sum3A_473 = vector.extract %reduce_sum3A_472[0, 0, 0] : f32 from vector<1x1x1xf32>
    %reshape3A = vector.broadcast %reduce_sum3A_473 : f32 to vector<1x1xf32>
    %eq3A_474 = arith.constant 0 : i32
    %eq3A_475 = arith.cmpi eq, %arg0, %eq3A_474 : i32
    %convert_element_type3A_476 = arith.extui %eq3A_475 : i1 to i32
    %cond3A = arith.constant 0 : i32
    %cond3A_477 = arith.cmpi ne, %convert_element_type3A_476, %cond3A : i32
    scf.if %cond3A_477 {
      %broadcast_in_dim3A_485 = arith.constant 0.000000e+00 : f32
      %broadcast_in_dim3A_486 = vector.broadcast %broadcast_in_dim3A_485 : f32 to vector<1x1xf32>
      %swap3A_487 = arith.constant 0 : index
      %swap3A_488 = arith.constant 0 : index
      %swap3A_489 = vector.load %arg8[%swap3A_487, %swap3A_488] : memref<1x1xf32, #tpu.memory_space<vmem>>, vector<1x1xf32>
      tpu.vector_store %arg8[%swap3A_487, %swap3A_488], %broadcast_in_dim3A_486 {strides = array<i32>} : memref<1x1xf32, #tpu.memory_space<vmem>>, vector<1x1xf32>,
    } else {
    }
    %get3A_478 = arith.constant 0 : index
    %get3A_479 = arith.constant 0 : index
    %get3A_480 = vector.load %arg8[%get3A_478, %get3A_479] : memref<1x1xf32, #tpu.memory_space<vmem>>, vector<1x1xf32>
    %add3A_481 = arith.addf %get3A_480, %reshape3A : vector<1x1xf32>
    %swap3A_482 = arith.constant 0 : index
    %swap3A_483 = arith.constant 0 : index
    %swap3A_484 = vector.load %arg8[%swap3A_482, %swap3A_483] : memref<1x1xf32, #tpu.memory_space<vmem>>, vector<1x1xf32>
    tpu.vector_store %arg8[%swap3A_482, %swap3A_483], %add3A_481 {strides = array<i32>} : memref<1x1xf32, #tpu.memory_space<vmem>>, vector<1x1xf32>,
    return
  }
  func.func @transform_0(%arg0: i32) -> (i32, i32) {
    %c0_i32 = arith.constant 0 : i32
    %c0_i32_0 = arith.constant 0 : i32
    return %arg0, %c0_i32 : i32, i32
  }
  func.func @transform_1(%arg0: i32) -> (i32, i32) {
    %c0_i32 = arith.constant 0 : i32
    %c0_i32_0 = arith.constant 0 : i32
    %c0_i32_1 = arith.constant 0 : i32
    return %c0_i32, %c0_i32_0 : i32, i32
  }
  func.func @transform_2(%arg0: i32) -> (i32, i32) {
    %c0_i32 = arith.constant 0 : i32
    %c0_i32_0 = arith.constant 0 : i32
    %c0_i32_1 = arith.constant 0 : i32
    return %c0_i32, %c0_i32_0 : i32, i32
  }
  func.func @transform_3(%arg0: i32) -> (i32, i32) {
    %c0_i32 = arith.constant 0 : i32
    %c0_i32_0 = arith.constant 0 : i32
    %c0_i32_1 = arith.constant 0 : i32
    return %c0_i32, %c0_i32_0 : i32, i32
  }
  func.func @transform_4(%arg0: i32) -> (i32, i32) {
    %c0_i32 = arith.constant 0 : i32
    %c0_i32_0 = arith.constant 0 : i32
    return %arg0, %c0_i32 : i32, i32
  }
  func.func @transform_5(%arg0: i32) -> (i32, i32) {
    %c0_i32 = arith.constant 0 : i32
    %c0_i32_0 = arith.constant 0 : i32
    return %arg0, %c0_i32 : i32, i32
  }
  func.func @transform_6(%arg0: i32) -> (i32, i32) {
    %c0_i32 = arith.constant 0 : i32
    %c0_i32_0 = arith.constant 0 : i32
    return %arg0, %c0_i32 : i32, i32
  }
  func.func @transform_7(%arg0: i32) -> (i32, i32) {
    %c0_i32 = arith.constant 0 : i32
    %c0_i32_0 = arith.constant 0 : i32
    %c0_i32_1 = arith.constant 0 : i32
    return %c0_i32, %c0_i32_0 : i32, i32
  }
}

</mosaic_0001>

<sc_bundles>
// kernel: kernel.15.cloned.1.call-start
scs
__scs_entry_jumppad:
0x0: {  	(pc) =	sbr.rel $0x88, $3  }
0x1: {  	(tag) =	ssettag $0x0;
	lr =	simm.s32 $0x1  }
0x2: {  	[smem:$0x3F7B] =	sst lr;
	_ =	strace $0xD0000000  }
0x3: {  	_ = 	snop  }
0x4: {  	_ = 	snop  }
0x5: {  	_ = 	snop  }
0x6: {  	_ = 	snop  }
0x7: {  	_ = 	snop  }
__scs_overlays_trampoline_lowered:
0x8: {  	[smem:$0x3F8A] =	sst s0  }
0x9: {  	[smem:$0x3F8B] =	sst s1  }
0xa: {  	[smem:$0x3F8C] =	sst s2  }
0xb: {  	[smem:$0x3F8D] =	sst s3  }
0xc: {  	[smem:$0x3F8E] =	sst s4  }
0xd: {  	[smem:$0x3F8F] =	sst s5  }
0xe: {  	[smem:$0x3F90] =	sst s6  }
0xf: {  	[smem:$0x3F91] =	sst s7  }
0x10: {  	[smem:$0x3F92] =	sst s8  }
0x11: {  	[smem:$0x3F93] =	sst s9;
	s0 =	simm.s32 @!p0 $0x0  }
0x12: {  	s1 =	sld [smem:$0x3F79];
	s0 =	simm.s32 @p0 $0x1  }
0x13: {  	[smem:$0x3F94] =	sst s0;
	s0 =	simm.s32 @!p1 $0x0  }
0x14: {  	s2 =	sld [smem:$0x3F78];
	s0 =	simm.s32 @p1 $0x1  }
0x15: {  	[smem:$0x3F95] =	sst s0;
	s0 =	simm.s32 @!p2 $0x0  }
0x16: {  	s3 =	sld [smem:$0x3FDB];
	s0 =	simm.s32 @p2 $0x1  }
0x17: {  	s4 =	simm.s32 $0x1BF5;
	[smem:$0x3F97] =	sst s0  }
0x18: {  	s0 =	sld [smem:$0x3F7A];
	_ =	swait.ge [sflag:s4], $0x0  }
0x19: {  	s7 =	sld [smem:$0x3F7B]  }
0x1a: {  	s8 =	sadd.s32 $0xFFFFE003, lr  }
0x1b: {  	s9 =	sadd.s32 $0xFFFFFEF7, lr;
	s5 =	simm.s32 $0xFFFFFFFF;
	p2 =	slt.u32 s8, $0xFFFFF086  }
0x1c: {  	p1 =	slt.u32 s9, $0xF7A;
	s5 =	simm.s32 @!p2 $0x0  }
0x1d: {  	s5 =	simm.s32 @p1 $0x1;
	p0 =	seq.s32 s7, s2  }
0x1e: {  	s7 =	smul.u32 @!p0 $0xF7A, s2;
	p2 =	seq.s32 @!p0 s5, $0x0  }
0x1f: {  	s9 =	smul.u32 $0xF7A, s1;
	s8 =	simm.s32 @!p0 $0x1BF5;
	p2 =	por !p2, p0  }
0x20: {  	[sflag:s8] =	ssyncset.s32 @!p0 $0xFFFFF086;
	s6 =	sadd.s32 @!p0 s3, s7;
	s7 =	simm.s32 @!p0 $0x108  }
0x21: {  	s3 =	sadd.s32 s3, s9;
	s6 =	sadd.s32 @!p0 $0x88, s6;
	s7 =	simm.s32 @p2 $0x1082  }
0x22: {  	[simem:s7], [sflag:s8] =	dma.local @!p0 [hbm:s6], $0xF7A  }
0x23: {  	s9 =	sor.u32 $0xD0000000, s2;
	s6 =	simm.s32 $0x108;
	_ =	swait.ge @!p0 [sflag:s8], $0x0  }
0x24: {  	s3 =	sadd.s32 $0x88, s3;
	s6 =	simm.s32 @!p1 $0x1082;
	[sflag:s4] =	ssyncset.s32 $0xFFFFF086  }
0x25: {  	[simem:s6], [sflag:s4] =	dma.local [hbm:s3], $0xF7A  }
0x26: {  	[smem:$0x3F7B] =	sst s1;
	(tag) =	ssettag s2;
	_ =	strace s9  }
0x27: {  	s1 =	sld [smem:$0x3F8B]  }
0x28: {  	s2 =	sld [smem:$0x3F8C]  }
0x29: {  	s4 =	sld [smem:$0x3F8E]  }
0x2a: {  	p0 =	seq.s32 s5, $0x0;
	s5 =	sld [smem:$0x3F8F]  }
0x2b: {  	s6 =	sld [smem:$0x3F90]  }
0x2c: {  	s7 =	sld [smem:$0x3F91]  }
0x2d: {  	s3 =	simm.s32 $0x108;
	s8 =	sld [smem:$0x3F92]  }
0x2e: {  	s3 =	simm.s32 @!p0 $0x1082;
	s9 =	sld [smem:$0x3F93]  }
0x2f: {  	lr =	sadd.s32 s0, s3;
	s0 =	sld [smem:$0x3F8A]  }
0x30: {  	s3 =	sld [smem:$0x3F8D]  }
0x31: {  	[smem:$0x3F96] =	sst s10  }
0x32: {  	s10 =	sld [smem:$0x3F94];
	_ =	sdelay $0x3  }
0x33: {  	p0 =	seq.s32 s10, $0x1;
	s10 =	sld [smem:$0x3F96];
	_ =	sdelay $0x3  }
0x34: {  	[smem:$0x3F96] =	sst s10  }
0x35: {  	s10 =	sld [smem:$0x3F95];
	_ =	sdelay $0x3  }
0x36: {  	p1 =	seq.s32 s10, $0x1;
	s10 =	sld [smem:$0x3F96];
	_ =	sdelay $0x3  }
0x37: {  	[smem:$0x3F96] =	sst s10  }
0x38: {  	s10 =	sld [smem:$0x3F97]  }
0x39: {  	_ = 	snop;
	(pc) =	sbr.ind lr, $3  }
0x3a: {  	_ = 	snop  }
0x3b: {  	_ = 	snop  }
0x3c: {  	p2 =	seq.s32 s10, $0x1;
	s10 =	sld [smem:$0x3F96]  }
0x3d: {  	_ =	shalt  }
0x3e: {  	_ =	shalt  }
0x3f: {  	_ =	shalt  }
0x40: {  	_ =	shalt  }
0x41: {  	_ =	shalt  }
0x42: {  	_ =	shalt  }
0x43: {  	_ =	shalt  }
0x44: {  	_ =	shalt  }
0x45: {  	_ =	shalt  }
0x46: {  	_ =	shalt  }
0x47: {  	_ =	shalt  }
0x48: {  	_ =	shalt  }
0x49: {  	_ =	shalt  }
0x4a: {  	_ =	shalt  }
0x4b: {  	_ =	shalt  }
0x4c: {  	_ =	shalt  }
0x4d: {  	_ =	shalt  }
0x4e: {  	_ =	shalt  }
0x4f: {  	_ =	shalt  }
0x50: {  	_ =	shalt  }
0x51: {  	_ =	shalt  }
0x52: {  	_ =	shalt  }
0x53: {  	_ =	shalt  }
0x54: {  	_ =	shalt  }
0x55: {  	_ =	shalt  }
0x56: {  	_ =	shalt  }
0x57: {  	_ =	shalt  }
0x58: {  	_ =	shalt  }
0x59: {  	_ =	shalt  }
0x5a: {  	_ =	shalt  }
0x5b: {  	_ =	shalt  }
0x5c: {  	_ =	shalt  }
0x5d: {  	_ =	shalt  }
0x5e: {  	_ =	shalt  }
0x5f: {  	_ =	shalt  }
0x60: {  	_ =	shalt  }
0x61: {  	_ =	shalt  }
0x62: {  	_ =	shalt  }
0x63: {  	_ =	shalt  }
0x64: {  	_ =	shalt  }
0x65: {  	_ =	shalt  }
0x66: {  	_ =	shalt  }
0x67: {  	_ =	shalt  }
0x68: {  	_ =	shalt  }
0x69: {  	_ =	shalt  }
0x6a: {  	_ =	shalt  }
0x6b: {  	_ =	shalt  }
0x6c: {  	_ =	shalt  }
0x6d: {  	_ =	shalt  }
0x6e: {  	_ =	shalt  }
0x6f: {  	_ =	shalt  }
0x70: {  	_ =	shalt  }
0x71: {  	_ =	shalt  }
0x72: {  	_ =	shalt  }
0x73: {  	_ =	shalt  }
0x74: {  	_ =	shalt  }
0x75: {  	_ =	shalt  }
0x76: {  	_ =	shalt  }
0x77: {  	_ =	shalt  }
0x78: {  	_ =	shalt  }
0x79: {  	_ =	shalt  }
0x7a: {  	_ =	shalt  }
0x7b: {  	_ =	shalt  }
0x7c: {  	_ =	shalt  }
0x7d: {  	_ =	shalt  }
0x7e: {  	_ =	shalt  }
0x7f: {  	_ =	shalt  }
0x80: {  	_ =	shalt  }
0x81: {  	_ =	shalt  }
0x82: {  	_ =	shalt  }
0x83: {  	_ =	shalt  }
0x84: {  	_ =	shalt  }
0x85: {  	_ =	shalt  }
0x86: {  	_ =	shalt  }
0x87: {  	_ =	shalt  }
.Lfunc_end0:
.L_simem_size_0:
called_computation_lowered:
.L_overlay_start_0:
0x88: {  	s2 =	sld [smem:$0x3FD9]  }
0x89: {  	s3 =	sld [smem:$0x3FFE];
	_ =	sdelay $0x1  }
0x8a: {  	s1 =	srdreg.scid  }
0x8b: {  	s0 =	sand.u32 $0x1, s1  }
0x8c: {  	s14 =	sshll.u32 s0, $0xA;
	s2 =	sadd.s32 s3, s2  }
0x8d: {  	s2 =	sadd.s32 s2, s14  }
0x8e: {  	[smem:$0x3FA2] =	sst s2  }
0x8f: {  	_ = 	snop  }
0x90: {  	s2 =	sld [smem:$0x3FD0];
	_ =	sdelay $0x2  }
0x91: {  	s15 =	simm.s32 $0xA;
	s4 =	simm.s32 $0x10  }
0x92: {  	[smem:s4], [sflag:s15] =	dma.local [hbm:s2], $0x1  }
0x93: {  	_ =	swait.eq [sflag:s15], $0x1  }
0x94: {  	s16 =	sld [smem:$0x10];
	[sflag:s15] =	ssyncset.done $0x0  }
0x95: {  	s17 =	sld [smem:$0x11];
	[sflag:s15] =	ssyncadd.s32 $0xFFFFFFFF  }
0x96: {  	s18 =	sld [smem:$0x12];
	(tm) =	ssettm $0x1  }
0x97: {  	s5 =	sld [smem:$0x3FFB];
	_ =	sdelay $0x3  }
0x98: {  	_ =	strace s5  }
0x99: {  	s5 =	sld [smem:$0x3FFC];
	_ =	sdelay $0x3  }
0x9a: {  	_ =	strace s5  }
0x9b: {  	s5 =	sld [smem:$0x3FFD];
	_ =	sdelay $0x3  }
0x9c: {  	_ =	strace s5  }
0x9d: {  	_ =	strace $0x8FFFFFFF  }
0x9e: {  	s19 =	sld [smem:$0x3FDB];
	_ =	sdelay $0x1  }
0x9f: {  	s6 =	simm.s32 $_scs_section_size  }
0xa0: {  	s7 =	simm.s32 $_size__tile_overlayer_lowered;
	s8 =	simm.s32 $_tile_overlayer_lowered  }
0xa1: {  	s22 =	simm.s32 $0x1BFF;
	s21 =	sshll.u32 s8, $0x1;
	s5 =	sadd.s32 s6, s19  }
0xa2: {  	s9 =	simm.s32 $0x0;
	s20 =	sshll.u32 s7, $0x1;
	s7 =	sadd.s32 s21, s5  }
0xa3: {  	[timem:s9], [sflag:s22] =	dma.local [hbm:s7], s20  }
0xa4: {  	_ =	swait.ge [sflag:s22], s20  }
0xa5: {  	s6 =	ssub.s32 $0x0, s20;
	[sflag:s22] =	ssyncset.done $0x0  }
0xa6: {  	[sflag:s22] =	ssyncadd.s32 s6;
	_ =	sdelay $0x1  }
0xa7: {  	s23 =	simm.s32 $0x1B8B  }
0xa8: {  	_ =	swait.ge [sflag:s23], $0x1  }
0xa9: {  	[sflag:s23] =	ssyncset.done $0x0  }
0xaa: {  	s25 =	simm.s32 $0x1B8E;
	s24 =	sld [smem:$0x3FFE];
	[sflag:s23] =	ssyncadd.s32 $0xFFFFFFFF  }
0xab: {  	s26 =	simm.s32 $execute0_lowered;
	[smem:$0x3FD2] =	sst s25  }
0xac: {  	s7 =	sshll.u32 s26, $0x1;
	_ =	strace $0x80000046;
	[dreg:$0x1] =	wrdreg $0xFFFFFFFF  }
0xad: {  	s28 =	simm.s32 $_size_execute0_lowered;
	s5 =	sadd.s32 s5, s7;
	[dreg:$0x0] =	wrdreg $0x0  }
0xae: {  	s7 =	sshll.u32 s28, $0x1;
	[dreg:$0x2] =	wrdreg s5  }
0xaf: {  	[dreg:$0x3] =	wrdreg s7  }
0xb0: {  	[dreg:$0x4] =	wrdreg $0xC0  }
0xb1: {  	_ =	task [dreg:s9], $0x5FFFF  }
0xb2: {  	[dreg:$0x1] =	wrdreg $0xFFFFFFFF  }
0xb3: {  	[dreg:$0x0] =	wrdreg $0x60  }
0xb4: {  	[dreg:$0x2] =	wrdreg s16  }
0xb5: {  	[dreg:$0x3] =	wrdreg s17  }
0xb6: {  	[dreg:$0x4] =	wrdreg s24  }
0xb7: {  	[dreg:$0x5] =	wrdreg s18  }
0xb8: {  	[dreg:$0x6] =	wrdreg $0x15A000  }
0xb9: {  	[dreg:$0x7] =	wrdreg $0x9  }
0xba: {  	_ =	task.clear_ibuf [dreg:s9], $0x8FFFF;
	_ =	strace $0x90000046  }
0xbb: {  	s29 =	simm.s32 $0x9;
	_ =	strace $0x80000048  }
0xbc: {  	_ =	swait.ge [sflag:s29], $0x1  }
0xbd: {  	[sflag:s29] =	ssyncadd.s32 $0xFFFFFFFF  }
0xbe: {  	_ =	strace $0x90000048  }
0xbf: {  	_ =	sfence  }
0xc0: {  	s30 =	sld [smem:$0x0];
	_ =	sdelay $0x2  }
0xc1: {  	s31 =	sshll.u32 s1, $0xD;
	s1 =	sshrl.u32 s1, $0x2  }
0xc2: {  	s3 =	sand.u32 $0x4000, s31;
	s1 =	sadd.s32 s1, s30  }
0xc3: {  	s0 =	sor.u32 s3, s0;
	s1 =	sshll.u32 s1, $0x11  }
0xc4: {  	s0 =	sor.u32 s1, s0  }
0xc5: {  	s0 =	sadd.s32 $0x8F2B, s0  }
0xc6: {  	[sflag:s0] =	ssyncadd.remote.s32 $0x1  }
0xc7: {  	_ =	sfence.sel $0xFFFF  }
0xc8: {  	[dreg:$0x0] =	wrdreg $0xFFFFFFFF;
	(pc) =	sbr.abs _section_cstart, $3  }
0xc9: {  	[dreg:$0x1] =	wrdreg $0xFFFFFFFF  }
0xca: {  	_ =	task.clear_ibuf [dreg:s9], $0x2FFFF;
	_ =	strace $0x9FFFFFFF  }
0xcb: {  	(tm) =	ssettm $0x7FFFFFFF  }
tec
execute0_lowered:
.L_overlay_start_1:
0x0: {  	(tag) =	ssettag $0x1  }
0x1: {  	s1 =	rddreg [dreg:$0x0]  }
0x2: {  	s2 =	rddreg [dreg:$0x1]  }
0x3: {  	s0 =	rddreg [dreg:$0x2]  }
0x4: {  	s5 =	rddreg [dreg:$0x4]  }
0x5: {  	s4 =	stileid.u32;
	s6 =	simm.s32 $0x0;
	s3 =	srdreg.scid  }
0x6: {  	s14 =	simm.s32 $0x15600;
	s15 =	simm.s32 $0x1;
	s16 =	simm.s32 $0x680  }
0x7: {  	s17 =	simm.s32 $0x14D00;
	s18 =	simm.s32 $0xD00;
	s20 =	simm.s32 $0x400  }
0x8: {  	s21 =	simm.s32 $0x15200;
	s7 =	smul.u32 $0xA000, s4;
	[smem:$0x7FF] =	sst s6  }
0x9: {  	s3 =	sand.u32 $0x1, s3;
	s9 =	sadd.s32 $0x19C00, s0;
	s31 =	sshll.u32 s4, $0x6  }
0xa: {  	_ =	strace $0x80000047;
	s10 =	ssub.s32 $0x2, s3;
	s8 =	sshrl.u32 s7, $0x3  }
0xb: {  	s11 =	sshrl.u32 s10, $0x1;
	s12 =	sadd.s32 s8, s0;
	s8 =	smul.u32 $0x1400, s3  }
0xc: {  	v1 =	vlaneseq.u32;
	v2 =	vimm.s32 $0x0;
	s19 =	sor.u32 $0x1C01, s31;
	s30 =	ssub.s32 s10, s11;
	s10 =	smul.u32 $0x9C40, s4  }
0xd: {  	v3 =	vmul.u32 $0x50, v1;
	v4 =	vor.u32 $0xA0000, v1;
	s11 =	sadd.s32 s7, s5;
	s12 =	sadd.s32 $0x5C00, s12;
	s13 =	smax.u32 s30, $0x1;
	v0 =	vmov s8  }
.LBB2_1:
0xe: {  	s0 =	simm.s32 $0x40;
	s3 =	simm.s32 $0x0  }
.LBB2_2:
0xf: {  	p0 =	sne.s32 s0, $0x13C0;
	[tilespmem:s3+$0x14D00] =	vst v2;
	s3 =	smov.u32 s0;
	s0 =	sadd.s32 $0x40, s0  }
.Ltmp0:
0x10: {  	(pc) =	sbr.rel @p0 .LBB2_2-.Ltmp0, $2  }
0x11: {  	_ =	sdelay $0x2  }
0x12: {  	s3 =	sshra.s32 s3, $0x2  }
0x13: {  	[tilespmem:s3+$0x14D00] =	vst v2;
	s22 =	simm.s32 $0x0;
	s0 =	rddreg [dreg:$0x3]  }
0x14: {  	[tilespmem:s14], [sflag:$0x1] =	stream.linear.gather [hbm4b:s0+s22], $0x400, $0x38;
	[tilespmem:$0x1FC80] =	vst v63  }
0x15: {  	_ =	swait.ge [sflag:s15], $0x400  }
0x16: {  	[sflag:s15] =	ssyncset.done $0x0  }
0x17: {  	s23 =	simm.s32 $0x0;
	[sflag:s15] =	ssyncadd.s32 $0xFFFFFC00  }
.LBB2_4:
0x18: {  	s0 =	smul.u32 $0x640, s23;
	_ =	sdelay $0x1  }
0x19: {  	s0 =	sadd.s32 s10, s0  }
0x1a: {  	s0 =	sshrl.u32 s0, $0x3  }
0x1b: {  	s3 =	sadd.s32 s1, s0  }
0x1c: {  	[tilespmem:s22], [sflag:$0x1] =	stream.linear.gather [hbm4b:s3+s22], $0x640, $0x38;
	[tilespmem:$0x1FC80] =	vst v63  }
0x1d: {  	_ =	swait.ge [sflag:s15], $0x640  }
0x1e: {  	[sflag:s15] =	ssyncset.done $0x0  }
0x1f: {  	s0 =	sadd.s32 s2, s0;
	[sflag:s15] =	ssyncadd.s32 $0xFFFFF9C0  }
0x20: {  	[tilespmem:s16], [sflag:$0x1] =	stream.linear.gather [hbm4b:s0+s22], $0x640, $0x38;
	[tilespmem:$0x1FC80] =	vst v63  }
0x21: {  	_ =	swait.ge [sflag:s15], $0x640  }
0x22: {  	[sflag:s15] =	ssyncset.done $0x0  }
0x23: {  	s24 =	simm.s32 $0x0;
	[sflag:s15] =	ssyncadd.s32 $0xFFFFF9C0  }
.LBB2_5:
0x24: {  	s0 =	sshra.s32 s24, $0x2  }
0x25: {  	v5 =	vld [tilespmem:s0+$0x680];
	_ =	sdelay $0x4  }
0x26: {  	v6 =	vsub.s32 v5, v0  }
0x27: {  	vm0 =	vgt.s32 v6, $0x0  }
0x28: {  	v7 =	vnsel vm0, $0x0, v6  }
0x29: {  	v7 =	vmin.u32 v7, $0x13FF  }
0x2a: {  	v8 =	vshrl.u32 v7, $0x6  }
0x2b: {  	v8 =	vadd.s32 v3, v8;
	_ =	sdelay $0x3  }
0x2c: {  	v9 =	vld [tilespmem:s0+$0x0]  }
0x2d: {  	v10 =	vld.idx.msk [tilespmem:v8+s17+$0x0], $0xffff;
	_ =	sdelay $0x3  }
0x2e: {  	v11 =	vsub.s32 v9, v0  }
0x2f: {  	vm13 =	vgt.s32 v11, $0x0;
	vm1 =	vlt.u32 v6, $0x1400;
	vm12 =	vlt.s32 v10, $0x3F  }
0x30: {  	v13 =	vnsel vm13, $0x0, v11;
	v6 =	vshll.u32 v8, $0x6;
	v12 =	vnsel vm12, $0x3F, v10  }
0x31: {  	v59 =	vmin.u32 v13, $0x13FF;
	v6 =	vadd.s32 v12, v6  }
0x32: {  	v13 =	vshrl.u32 v59, $0x6  }
0x33: {  	v7 =	vmul.u32 $0x2800, v7;
	v13 =	vadd.s32 v3, v13;
	_ =	sdelay $0x1  }
0x34: {  	v60 =	vsel vm1, $0x1, v2;
	v7 =	vadd.s32 v9, v7  }
0x35: {  	[tilespmem:v6+s18+$0x0] =	vst.idx.msk vm1, v7;
	v6 =	vadd.s32 v60, v10  }
0x36: {  	[tilespmem:v8+s17+$0x0] =	vst.idx.msk $0xffff, v6  }
0x37: {  	v6 =	vld.idx.msk [tilespmem:v13+s17+$0x0], $0xffff;
	_ =	sdelay $0x4  }
0x38: {  	vm14 =	vlt.s32 v6, $0x3F  }
0x39: {  	vm15 =	vlt.u32 v11, $0x1400;
	v7 =	vshll.u32 v13, $0x6;
	v61 =	vnsel vm14, $0x3F, v6  }
0x3a: {  	v7 =	vadd.s32 v61, v7  }
0x3b: {  	p0 =	sne.s32 s24, $0x18C0  }
.Ltmp1:
0x3c: {  	v62 =	vmul.u32 $0x2800, v59;
	(pc) =	sbr.rel @p0 .LBB2_5-.Ltmp1, $4  }
0x3d: {  	_ = 	snop  }
0x3e: {  	v63 =	vsel vm15, $0x1, v2;
	v5 =	vadd.s32 v5, v62  }
0x3f: {  	[tilespmem:v7+s18+$0x0] =	vst.idx.msk vm15, v5;
	v5 =	vadd.s32 v63, v6  }
0x40: {  	s24 =	sadd.s32 $0x40, s24;
	[tilespmem:v13+s17+$0x0] =	vst.idx.msk $0xffff, v5  }
0x41: {  	s23 =	sadd.s32 $0x1, s23  }
0x42: {  	p0 =	sne.s32 s23, $0x19  }
.Ltmp2:
0x43: {  	_ = 	snop;
	(pc) =	sbr.rel @p0 .LBB2_4-.Ltmp2, $1  }
0x44: {  	_ =	sdelay $0x3  }
0x45: {  	s22 =	simm.s32 $0x0;
	s23 =	simm.s32 $0xD00  }
.LBB2_8:
0x46: {  	[bflag:$0x0] =	sbarrier.arrive $0xFFFF;
	s24 =	sshrl.u32 s11, $0x3  }
0x47: {  	[spmem:s24], [sflag:s19] =	dma.local [hbm:s12], $0x1400  }
0x48: {  	_ =	swait.ge [sflag:s15], $0x1400  }
0x49: {  	s0 =	smul.u32 $0xFFF60000, s22;
	[sflag:s15] =	ssyncset.done $0x0  }
0x4a: {  	s25 =	simm.s32 $0x15200;
	s26 =	smov.u32 s23;
	[sflag:s15] =	ssyncadd.s32 $0xFFFFEC00  }
0x4b: {  	s28 =	simm.s32 $0x0;
	s29 =	simm.s32 $0x0;
	v5 =	vmov s0;
	[bflag:$0x0] =	sbarrier.arrive $0xFFFF  }
.LBB2_9:
0x4c: {  	s0 =	smul.u32 $0x50, s29;
	_ =	sdelay $0x1  }
0x4d: {  	s0 =	sadd.s32 s22, s0  }
0x4e: {  	v6 =	vmov s0;
	_ =	sdelay $0x3  }
0x4f: {  	v7 =	vld [tilespmem:s26+$0x0]  }
0x50: {  	v6 =	vld.idx.msk [tilespmem:v6+s17+$0x0], $0xffff;
	_ =	sdelay $0x3  }
0x51: {  	v7 =	vadd.s32 v5, v7  }
0x52: {  	s3 =	simm.s32 $0x0;
	vm1 =	vgt.s32 v7, $0x0;
	vm0 =	vlt.s32 v6, $0x40  }
0x53: {  	s4 =	sadd.s32 $0x0, s28;
	v8 =	vor.u32 s3, v1;
	v7 =	vnsel vm1, $0x0, v7;
	v6 =	vnsel vm0, $0x40, v6  }
0x54: {  	v7 =	vmin.u32 v7, $0x9FFFF;
	vm0 =	vlt.s32 v8, v6;
	v8 =	vor.u32 s4, v4  }
0x55: {  	v7 =	vsel vm0, v7, v8  }
0x56: {  	s0 =	sadd.s32 $0x10, s26;
	[tilespmem:s25+$0x0] =	vst v7  }
0x57: {  	s31 =	simm.s32 $0x10;
	s30 =	smov.u32 s25;
	s3 =	simm.s32 $0x20;
	v7 =	vld [tilespmem:s0+$0x0]  }
.LBB2_10:
0x58: {  	p0 =	sne.s32 s3, $0x30;
	_ =	sdelay $0x3  }
0x59: {  	v7 =	vadd.s32 v5, v7  }
0x5a: {  	vm0 =	vgt.s32 v7, $0x0  }
.Ltmp3:
0x5b: {  	v8 =	vor.u32 s31, v1;
	s4 =	sadd.s32 s31, s28;
	s31 =	smov.u32 s3;
	v7 =	vnsel vm0, $0x0, v7;
	(pc) =	sbr.rel @p0 .LBB2_10-.Ltmp3, $4  }
0x5c: {  	vm0 =	vlt.s32 v8, v6;
	v8 =	vor.u32 s4, v4;
	v7 =	vmin.u32 v7, $0x9FFFF  }
0x5d: {  	s30 =	sadd.s32 $0x10, s30;
	v7 =	vsel vm0, v7, v8  }
0x5e: {  	s0 =	sadd.s32 $0x10, s0;
	[tilespmem:s30+$0x0] =	vst v7  }
0x5f: {  	s3 =	sadd.s32 $0x10, s3;
	v7 =	vld [tilespmem:s0+$0x0]  }
0x60: {  	_ =	sdelay $0x2  }
0x61: {  	s29 =	sadd.s32 $0x1, s29  }
0x62: {  	p0 =	sne.s32 s29, $0x10;
	v7 =	vadd.s32 v5, v7  }
.Ltmp4:
0x63: {  	vm0 =	vgt.s32 v7, $0x0;
	(pc) =	sbr.rel @p0 .LBB2_9-.Ltmp4, $4  }
0x64: {  	v8 =	vor.u32 s31, v1;
	s0 =	sadd.s32 s31, s28;
	v7 =	vnsel vm0, $0x0, v7  }
0x65: {  	vm15 =	vlt.s32 v8, v6;
	v6 =	vmin.u32 v7, $0x9FFFF;
	v7 =	vor.u32 s0, v4  }
0x66: {  	s31 =	sadd.s32 $0x10, s30;
	v6 =	vsel vm15, v6, v7  }
0x67: {  	s25 =	sadd.s32 $0x40, s25;
	s28 =	sadd.s32 $0x40, s28;
	s26 =	sadd.s32 $0x1400, s26;
	[tilespmem:s31+$0x0] =	vst v6  }
0x68: {  	[spmem:s5] =	stream.indirect.scatter.add.f32 [tilespmem:s14], [sflag:$0x1], $0x1, s21, s20, $0xb8;
	[tilespmem:$0x1FC80] =	vst v63  }
0x69: {  	s0 =	sshll.u32 s22, $0x6  }
0x6a: {  	s0 =	sadd.s32 s8, s0  }
0x6b: {  	s0 =	smul.u32 $0x2800, s0  }
0x6c: {  	_ =	swait.ge [sflag:s15], $0x400  }
0x6d: {  	s22 =	sadd.s32 $0x1, s22;
	[sflag:s15] =	ssyncset.done $0x0;
	s0 =	sadd.s32 s7, s0  }
0x6e: {  	p0 =	sne.s32 s22, $0x50;
	[sflag:s15] =	ssyncadd.s32 $0xFFFFFC00;
	s0 =	sshrl.u32 s0, $0x3  }
.Ltmp5:
0x6f: {  	[bflag:$0x0] =	sbarrier.arrive $0xFFFF;
	s0 =	sadd.s32 s9, s0;
	(pc) =	sbr.rel @p0 .LBB2_8-.Ltmp5, $4  }
0x70: {  	[hbm:s0], [sflag:s19] =	dma.local [spmem:s24], $0x1400  }
0x71: {  	_ =	swait.ge [sflag:s15], $0x1400  }
0x72: {  	[sflag:s15] =	ssyncset.done $0x0  }
0x73: {  	s23 =	sadd.s32 $0x40, s23;
	[sflag:s15] =	ssyncadd.s32 $0xFFFFEC00  }
0x74: {  	s6 =	sadd.s32 $0x1, s6  }
0x75: {  	p0 =	sne.s32 s6, s13  }
.Ltmp6:
0x76: {  	_ = 	snop;
	(pc) =	sbr.rel @p0 .LBB2_1-.Ltmp6, $1  }
0x77: {  	_ =	sdelay $0x3  }
0x78: {  	_ =	sfence.sel $0x180000  }
0x79: {  	[bflag:$0x0] =	sbarrier.arrive $0xFFFF  }
0x7a: {  	_ =	strace $0x90000047  }
0x7b: {  	s0 =	stileid.u32;
	[bflag:$0x2] =	sbarrier.arrive $0xFFFF  }
0x7c: {  	p0 =	sne.s32 s0, $0x0;
	s0 =	rddreg [dreg:$0x5]  }
0x7d: {  	s0 =	sadd.s32 @!p0 $0x100000, s0  }
0x7e: {  	[sflag:s0] =	ssyncadd.tile.s32 @!p0 $0x1;
	_ =	shalt  }
.Lfunc_end2:
_tile_overlayer_lowered:
.L_overlay_start_2:
0x7f: {  	(tag) =	ssettag $0x2  }
0x80: {  	s0 =	rddreg [dreg:$0x0];
	s2 =	stileid.u32  }
0x81: {  	s1 =	rddreg [dreg:$0x1];
	p0 =	sne.s32 s2, $0x0  }
0x82: {  	s3 =	rddreg [dreg:$0x2];
	[bflag:$0x3] =	sbarrier.arrive $0xFFFF;
	s2 =	simm.s32 @!p0 $0x1C01  }
0x83: {  	[timem:s3], [sflag:s2] =	dma.local @!p0 [hbm:s0], s1  }
0x84: {  	s0 =	simm.s32 @!p0 $0x1  }
0x85: {  	_ =	swait.ge @!p0 [sflag:s0], s1  }
0x86: {  	s1 =	ssub.s32 @!p0 $0x0, s1;
	[sflag:s0] =	ssyncset.done @!p0 $0x0  }
0x87: {  	[sflag:s0] =	ssyncadd.s32 @!p0 s1  }
0x88: {  	[bflag:$0x3] =	sbarrier.arrive $0xFFFF  }
0x89: {  	_ =	shalt  }

</sc_bundles>
